<compile_context>
chip_gen: v7x
topology: tpu7x:2x2x1
jax: 0.10.2.dev20260603
libtpu: 0.0.44.dev20260713+nightly
codegen_flags: <defaults>
</compile_context>

<pallas_src>
import functools

import jax
import jax.numpy as jnp
from jax import lax
from jax.experimental import pallas as pl
from jax.experimental.pallas import tpu as pltpu, tpu_sc as plsc

N = 5000
NPAD = 5120
NCHUNK = NPAD // 16
NCLS = 21
NFG = NCLS - 1
K = 100
KPAD = 128
NMS_THRESH = 0.3
SCORE_THRESH = 0.05
IMG_H = 600.0
IMG_W = 800.0
NEG = -1.0


def _prep_body(scores_ref, loc_ref, rois_ref, probs_ref, boxes_ref):
    scores = scores_ref[...]
    mx = jnp.max(scores, axis=0, keepdims=True)
    e = jnp.exp(scores - mx)
    denom = jnp.sum(e, axis=0, keepdims=True)
    col = lax.broadcasted_iota(jnp.int32, (1, NPAD), 1)
    row_valid = col < N
    probs_ref[...] = jnp.where(row_valid, e / denom, 0.0)

    src_h = rois_ref[2:3, :] - rois_ref[0:1, :]
    src_w = rois_ref[3:4, :] - rois_ref[1:2, :]
    ctr_y = rois_ref[0:1, :] + 0.5 * src_h
    ctr_x = rois_ref[1:2, :] + 0.5 * src_w

    dy = loc_ref[0] * 0.1
    dx = loc_ref[1] * 0.1
    dh = loc_ref[2] * 0.2
    dw = loc_ref[3] * 0.2
    h = jnp.exp(dh) * src_h
    w = jnp.exp(dw) * src_w
    cy = dy * src_h + ctr_y
    cx = dx * src_w + ctr_x
    boxes_ref[0] = jnp.clip(cy - 0.5 * h, 0.0, IMG_H)
    boxes_ref[1] = jnp.clip(cx - 0.5 * w, 0.0, IMG_W)
    boxes_ref[2] = jnp.clip(cy + 0.5 * h, 0.0, IMG_H)
    boxes_ref[3] = jnp.clip(cx + 0.5 * w, 0.0, IMG_W)


def _nms_body(probs_hbm, boxes_hbm, ob_hbm, os_hbm, ol_hbm,
              score_v, boxes_v, cm_v, cm2_v, sel_v, ob_v, os_v, ol_v, dsem):
    cidx = lax.axis_index("c")
    sidx = lax.axis_index("s")
    wid = sidx * 2 + cidx

    @pl.when(wid < NFG)
    def _work():
        cls = wid + 1
        h1 = pltpu.async_copy(probs_hbm.at[cls], score_v, dsem)
        h2 = pltpu.async_copy(boxes_hbm.at[0, cls], boxes_v.at[0], dsem)
        h3 = pltpu.async_copy(boxes_hbm.at[1, cls], boxes_v.at[1], dsem)
        h4 = pltpu.async_copy(boxes_hbm.at[2, cls], boxes_v.at[2], dsem)
        h5 = pltpu.async_copy(boxes_hbm.at[3, cls], boxes_v.at[3], dsem)
        lane = lax.iota(jnp.int32, 16)
        zf16 = jnp.zeros((16,), jnp.float32)
        negv = jnp.full((16,), NEG, jnp.float32)

        @plsc.parallel_loop(0, (KPAD * 4) // 16, unroll=4)
        def _zob(i):
            ob_v[pl.ds(i * 16, 16)] = zf16

        @plsc.parallel_loop(0, KPAD // 16, unroll=2)
        def _zos(i):
            os_v[pl.ds(i * 16, 16)] = zf16
            sel_v[0, pl.ds(i * 16, 16)] = zf16
            sel_v[1, pl.ds(i * 16, 16)] = zf16
            sel_v[2, pl.ds(i * 16, 16)] = zf16
            sel_v[3, pl.ds(i * 16, 16)] = zf16
            sel_v[4, pl.ds(i * 16, 16)] = zf16

        @plsc.parallel_loop(0, (NCHUNK + 16) // 16, unroll=4)
        def _zcm(i):
            cm_v[pl.ds(i * 16, 16)] = negv

        cm2_v[pl.ds(0, 16)] = negv
        cm2_v[pl.ds(16, 16)] = negv
        h1.wait()
        h2.wait()
        h3.wait()
        h4.wait()
        h5.wait()

        def cmb(i, _):
            for k in range(4):
                j = i * 4 + k
                p = score_v[pl.ds(j * 16, 16)]
                s = jnp.where(p > SCORE_THRESH, p, NEG)
                score_v[pl.ds(j * 16, 16)] = s
                plsc.store_scatter(cm_v, [jnp.full((16,), j, jnp.int32)],
                                   jnp.full((16,), jnp.max(s), jnp.float32),
                                   mask=lane == 0)
            return 0

        lax.fori_loop(0, NCHUNK // 4, cmb, 0)

        def cm2b(g, _):
            cmg = cm_v[pl.ds(g * 16, 16)]
            plsc.store_scatter(cm2_v, [jnp.full((16,), g, jnp.int32)],
                               jnp.full((16,), jnp.max(cmg), jnp.float32),
                               mask=lane == 0)
            return 0

        lax.fori_loop(0, NCHUNK // 16, cm2b, 0)

        m0 = jnp.max(jnp.maximum(cm2_v[pl.ds(0, 16)], cm2_v[pl.ds(16, 16)]))

        def cond(carry):
            ns, m = carry
            return (ns < K) & (m > 0.0)

        def body(carry):
            ns, m = carry
            c0 = cm2_v[pl.ds(0, 16)]
            c1 = cm2_v[pl.ds(16, 16)]
            f0 = plsc.all_reduce_ffs(c0 >= m)[0]
            f1 = plsc.all_reduce_ffs(c1 >= m)[0]
            g = jnp.where(f0 < 16, f0, 16 + f1)
            cmg = cm_v[pl.ds(g * 16, 16)]
            jin = plsc.all_reduce_ffs(cmg >= m)[0]
            j = g * 16 + jin
            s = score_v[pl.ds(j * 16, 16)]
            lsel = plsc.all_reduce_ffs(s >= m)[0]
            idx = j * 16 + lsel
            s2 = jnp.where(lane == lsel, NEG, s)
            score_v[pl.ds(j * 16, 16)] = s2
            cmj = jnp.max(s2)
            cmg2 = jnp.where(lane == jin, cmj, cmg)
            cm_v[pl.ds(g * 16, 16)] = cmg2
            maxg = jnp.max(cmg2)
            plsc.store_scatter(cm2_v, [jnp.full((16,), g, jnp.int32)],
                               jnp.full((16,), maxg, jnp.float32),
                               mask=lane == 0)
            c0n = jnp.where(lane == g, maxg, c0)
            c1n = jnp.where(lane + 16 == g, maxg, c1)
            m2 = jnp.max(jnp.maximum(c0n, c1n))

            idxv = jnp.full((16,), idx, jnp.int32)
            by1 = plsc.load_gather(boxes_v, [jnp.zeros((16,), jnp.int32), idxv])
            bx1 = plsc.load_gather(boxes_v, [jnp.full((16,), 1, jnp.int32), idxv])
            by2 = plsc.load_gather(boxes_v, [jnp.full((16,), 2, jnp.int32), idxv])
            bx2 = plsc.load_gather(boxes_v, [jnp.full((16,), 3, jnp.int32), idxv])
            ca = jnp.maximum(by2 - by1, 0.0) * jnp.maximum(bx2 - bx1, 0.0)

            def tchk(tb, mi):
                sy1 = sel_v[0, pl.ds(tb, 16)]
                sx1 = sel_v[1, pl.ds(tb, 16)]
                sy2 = sel_v[2, pl.ds(tb, 16)]
                sx2 = sel_v[3, pl.ds(tb, 16)]
                sa = sel_v[4, pl.ds(tb, 16)]
                tl_y = jnp.maximum(sy1, by1)
                tl_x = jnp.maximum(sx1, bx1)
                br_y = jnp.minimum(sy2, by2)
                br_x = jnp.minimum(sx2, bx2)
                wh_y = jnp.maximum(br_y - tl_y, 0.0)
                wh_x = jnp.maximum(br_x - tl_x, 0.0)
                inter = wh_y * wh_x
                iou = inter / (sa + ca - inter + 1e-9)
                return jnp.maximum(mi, iou)

            maxiou_v = plsc.parallel_loop(
                0, ((ns + 15) // 16) * 16, 16, unroll=2, carry=zf16)(tchk)
            keep = jnp.max(maxiou_v) <= NMS_THRESH

            @pl.when(keep)
            def _acc():
                nsv = jnp.full((16,), ns, jnp.int32)
                lane0 = lane == 0
                zi0 = jnp.zeros((16,), jnp.int32)
                plsc.store_scatter(sel_v, [zi0, nsv], by1, mask=lane0)
                plsc.store_scatter(sel_v, [zi0 + 1, nsv], bx1, mask=lane0)
                plsc.store_scatter(sel_v, [zi0 + 2, nsv], by2, mask=lane0)
                plsc.store_scatter(sel_v, [zi0 + 3, nsv], bx2, mask=lane0)
                plsc.store_scatter(sel_v, [zi0 + 4, nsv], ca, mask=lane0)
                boxvec = jnp.where(lane == 0, by1,
                                   jnp.where(lane == 1, bx1,
                                             jnp.where(lane == 2, by2, bx2)))
                plsc.store_scatter(ob_v, [ns * 4 + lane], boxvec,
                                   mask=lane < 4)
                plsc.store_scatter(os_v, [nsv],
                                   jnp.full((16,), m, jnp.float32),
                                   mask=lane0)

            ns2 = jnp.where(keep, ns + 1, ns)
            return ns2, m2

        kfin, _ = lax.while_loop(cond, body, (jnp.int32(0), m0))

        def lfill(i, _):
            base = i * 16
            ol_v[pl.ds(base, 16)] = jnp.where(base + lane < kfin, wid, -1)
            return 0

        lax.fori_loop(0, KPAD // 16, lfill, 0)

        pltpu.sync_copy(ob_v, ob_hbm.at[wid])
        pltpu.sync_copy(os_v, os_hbm.at[wid])
        pltpu.sync_copy(ol_v, ol_hbm.at[wid])


@jax.jit
def kernel(roi_cls_loc, roi_scores, rois):
    pad = NPAD - N
    scores_t = jnp.pad(roi_scores, ((0, pad), (0, 0))).T
    loc_t = jnp.transpose(
        jnp.pad(roi_cls_loc.reshape(N, NCLS, 4), ((0, pad), (0, 0), (0, 0))),
        (2, 1, 0))
    rois_t = jnp.pad(rois, ((0, pad), (0, 0))).T

    probs, boxes = pl.pallas_call(
        _prep_body,
        out_shape=[
            jax.ShapeDtypeStruct((NCLS, NPAD), jnp.float32),
            jax.ShapeDtypeStruct((4, NCLS, NPAD), jnp.float32),
        ],
    )(scores_t, loc_t, rois_t)

    nms = pl.kernel(
        _nms_body,
        out_type=[
            jax.ShapeDtypeStruct((NFG, KPAD * 4), jnp.float32),
            jax.ShapeDtypeStruct((NFG, KPAD), jnp.float32),
            jax.ShapeDtypeStruct((NFG, KPAD), jnp.int32),
        ],
        mesh=plsc.VectorSubcoreMesh(core_axis_name="c", subcore_axis_name="s"),
        compiler_params=pltpu.CompilerParams(needs_layout_passes=False),
        scratch_types=[
            pltpu.VMEM((NPAD,), jnp.float32),
            pltpu.VMEM((4, NPAD), jnp.float32),
            pltpu.VMEM((NCHUNK + 16,), jnp.float32),
            pltpu.VMEM((32,), jnp.float32),
            pltpu.VMEM((5, KPAD), jnp.float32),
            pltpu.VMEM((KPAD * 4,), jnp.float32),
            pltpu.VMEM((KPAD,), jnp.float32),
            pltpu.VMEM((KPAD,), jnp.int32),
            pltpu.SemaphoreType.DMA,
        ],
    )
    ob, os_, ol = nms(probs, boxes)

    out_boxes = ob.reshape(NFG, KPAD, 4)[:, :K, :].reshape(-1, 4)
    out_scores = os_[:, :K].reshape(-1)
    out_labels = ol[:, :K].reshape(-1)
    return out_boxes, out_labels, out_scores

# --- scband reference (transcript-rebuilt; emitter-appended) ---
"""Pipeline reference for scband-base-faster-rcnn-12979391168525 (READ-ONLY COPY).

The authoritative reference and input builder live on the scoring server;
editing this copy changes nothing except your own understanding.
"""

import jax, jax.numpy as jnp
import numpy as np

N = 5000
N_CLASS = 21
K = 100
NMS_THRESH = 0.3
SCORE_THRESH = 0.05
IMG_H = 600.0
IMG_W = 800.0
LOC_MEAN = (0.0, 0.0, 0.0, 0.0)
LOC_STD = (0.1, 0.1, 0.2, 0.2)


def setup_inputs(seed: int = 0):
    key = jax.random.key(seed)
    k1, k2, k3, k4 = jax.random.split(key, 4)
    roi_cls_loc = jax.random.normal(k1, (N, N_CLASS * 4), dtype=jnp.float32)
    roi_scores = jax.random.normal(k2, (N, N_CLASS), dtype=jnp.float32) * 2.0
    yx = jax.random.uniform(k3, (N, 2), dtype=jnp.float32) * jnp.array([IMG_H - 64.0, IMG_W - 64.0], dtype=jnp.float32)
    hw = jax.random.uniform(k4, (N, 2), dtype=jnp.float32) * 60.0 + 4.0
    rois = jnp.concatenate([yx, yx + hw], axis=1).astype(jnp.float32)
    return {"roi_cls_loc": roi_cls_loc, "roi_scores": roi_scores, "rois": rois}


def loc2bbox(src_bbox, loc):
    src_h = src_bbox[:, 2] - src_bbox[:, 0]
    src_w = src_bbox[:, 3] - src_bbox[:, 1]
    ctr_y = src_bbox[:, 0] + 0.5 * src_h
    ctr_x = src_bbox[:, 1] + 0.5 * src_w
    dy, dx, dh, dw = loc[:, 0], loc[:, 1], loc[:, 2], loc[:, 3]
    h = jnp.exp(dh) * src_h
    w = jnp.exp(dw) * src_w
    cy = dy * src_h + ctr_y
    cx = dx * src_w + ctr_x
    return jnp.stack([cy - 0.5 * h, cx - 0.5 * w, cy + 0.5 * h, cx + 0.5 * w], axis=1)


def _nms_single_class(boxes, scores, valid0):
    # greedy NMS, fixed K iterations (scan so shapes stay static)
    def step(valid, _):
        masked = jnp.where(valid, scores, -jnp.inf)
        idx = jnp.argmax(masked)
        ok = valid[idx]
        box = boxes[idx]
        tl = jnp.maximum(box[:2], boxes[:, :2])
        br = jnp.minimum(box[2:], boxes[:, 2:])
        wh = jnp.clip(br - tl, 0.0, None)
        inter = wh[:, 0] * wh[:, 1]
        a1 = jnp.clip(box[2] - box[0], 0.0, None) * jnp.clip(box[3] - box[1], 0.0, None)
        a2 = jnp.clip(boxes[:, 2] - boxes[:, 0], 0.0, None) * jnp.clip(boxes[:, 3] - boxes[:, 1], 0.0, None)
        iou = inter / (a1 + a2 - inter + 1e-9)
        new_valid = valid & (iou <= NMS_THRESH)
        new_valid = new_valid.at[idx].set(False)
        return new_valid, (idx, ok)

    _, (idxs, ok) = jax.lax.scan(step, valid0, None, length=K)
    return idxs, ok


def reference(roi_cls_loc, roi_scores, rois):
    mean = jnp.tile(jnp.array(LOC_MEAN, dtype=jnp.float32), N_CLASS)
    std = jnp.tile(jnp.array(LOC_STD, dtype=jnp.float32), N_CLASS)
    loc = roi_cls_loc * std[None, :] + mean[None, :]
    loc = loc.reshape(-1, N_CLASS, 4)
    rois_e = jnp.broadcast_to(rois[:, None, :], loc.shape)
    cls_bbox = loc2bbox(rois_e.reshape(-1, 4), loc.reshape(-1, 4))
    cls_bbox = cls_bbox.reshape(-1, N_CLASS, 4)
    y = jnp.clip(cls_bbox[:, :, 0::2], 0.0, IMG_H)
    x = jnp.clip(cls_bbox[:, :, 1::2], 0.0, IMG_W)
    cls_bbox = jnp.stack([y[:, :, 0], x[:, :, 0], y[:, :, 1], x[:, :, 1]], axis=-1)
    prob = jax.nn.softmax(roi_scores, axis=1)
    # skip background class 0
    boxes_c = jnp.transpose(cls_bbox[:, 1:, :], (1, 0, 2))  # [C-1, N, 4]
    probs_c = jnp.transpose(prob[:, 1:], (1, 0))            # [C-1, N]
    valid_c = probs_c > SCORE_THRESH
    idxs, ok = jax.vmap(_nms_single_class)(boxes_c, probs_c, valid_c)  # [C-1, K]
    out_boxes = jnp.take_along_axis(boxes_c, idxs[:, :, None], axis=1)
    out_boxes = jnp.where(ok[:, :, None], out_boxes, 0.0)
    out_scores = jnp.take_along_axis(probs_c, idxs, axis=1)
    out_scores = jnp.where(ok, out_scores, 0.0)
    labels = jnp.broadcast_to(jnp.arange(N_CLASS - 1)[:, None], ok.shape)
    labels = jnp.where(ok, labels, -1)
    return (out_boxes.reshape(-1, 4), labels.reshape(-1).astype(jnp.int32), out_scores.reshape(-1))

if __name__ == "__main__":
    import jax
    _d = setup_inputs()
    print(jax.jit(kernel)(*tuple(_d.values())))

</pallas_src>

<mosaic_0001>
#map = affine_map<(d0, d1) -> (0, 0)>
#map1 = affine_map<(d0, d1) -> (0, 0, 0)>
module attributes {stable_mosaic.version = 14 : i64} {
  func.func @_nms_body(%arg0: i32, %arg1: i32, %arg2: memref<21x5120xf32, #tpu.memory_space<hbm>>, %arg3: memref<4x21x5120xf32, #tpu.memory_space<hbm>>, %arg4: memref<20x512xf32, #tpu.memory_space<hbm>>, %arg5: memref<20x128xf32, #tpu.memory_space<hbm>>, %arg6: memref<20x128xi32, #tpu.memory_space<hbm>>, %arg7: memref<5120xf32, #tpu.memory_space<vmem>>, %arg8: memref<4x5120xf32, #tpu.memory_space<vmem>>, %arg9: memref<336xf32, #tpu.memory_space<vmem>>, %arg10: memref<32xf32, #tpu.memory_space<vmem>>, %arg11: memref<5x128xf32, #tpu.memory_space<vmem>>, %arg12: memref<512xf32, #tpu.memory_space<vmem>>, %arg13: memref<128xf32, #tpu.memory_space<vmem>>, %arg14: memref<128xi32, #tpu.memory_space<vmem>>, %arg15: memref<!tpu.dma_semaphore, #tpu.memory_space<semaphore_mem>>) attributes {dimension_semantics = [#tpu.dimension_semantics<core_parallel>, #tpu.dimension_semantics<subcore_parallel>], iteration_bounds = array<i64: 2, 16>, scalar_prefetch = 0 : i64, scratch_operands = 9 : i64, tpu.core_type = #tpu.core_type<sc_vector_subcore>, window_params = [{transform_indices = #map}, {transform_indices = #map1}, {transform_indices = #map}, {transform_indices = #map}, {transform_indices = #map}]} {
    %mul3A = arith.constant 2 : i32
    %mul3A_0 = arith.muli %arg1, %mul3A : i32
    %add3A = arith.addi %mul3A_0, %arg0 : i32
    %lt3A = arith.constant 20 : i32
    %lt3A_1 = arith.cmpi slt, %add3A, %lt3A : i32
    %convert_element_type3A = arith.extui %lt3A_1 : i1 to i32
    %cond3A = arith.constant 0 : i32
    %cond3A_2 = arith.cmpi ne, %convert_element_type3A, %cond3A : i32
    scf.if %cond3A_2 {
      %add3A_3 = arith.constant 1 : i32
      %add3A_4 = arith.addi %add3A, %add3A_3 : i32
      %dma_start3A = arith.constant 0 : i32
      %dma_start3A_5 = tpu.memref_slice %arg2[%add3A_4, %dma_start3A] : memref<21x5120xf32, #tpu.memory_space<hbm>> -> memref<1x5120xf32, #tpu.memory_space<hbm>>
      %dma_start3A_6 = tpu.memref_squeeze %dma_start3A_5 : memref<1x5120xf32, #tpu.memory_space<hbm>> -> memref<5120xf32, #tpu.memory_space<hbm>>
      %dma_start3A_7 = arith.constant 0 : i32
      %dma_start3A_8 = tpu.memref_slice %arg2[%add3A_4, %dma_start3A_7] : memref<21x5120xf32, #tpu.memory_space<hbm>> -> memref<1x5120xf32, #tpu.memory_space<hbm>>
      %dma_start3A_9 = tpu.memref_squeeze %dma_start3A_8 : memref<1x5120xf32, #tpu.memory_space<hbm>> -> memref<5120xf32, #tpu.memory_space<hbm>>
      tpu.enqueue_dma source(%dma_start3A_9 : memref<5120xf32, #tpu.memory_space<hbm>>) target(%arg7 : memref<5120xf32, #tpu.memory_space<vmem>>) target_semaphore(%arg15 : memref<!tpu.dma_semaphore, #tpu.memory_space<semaphore_mem>>)
      %dma_start3A_10 = arith.constant 0 : i32
      %dma_start3A_11 = arith.constant 0 : i32
      %dma_start3A_12 = arith.constant 0 : i32
      %dma_start3A_13 = tpu.memref_slice %arg8[%dma_start3A_11, %dma_start3A_12] : memref<4x5120xf32, #tpu.memory_space<vmem>> -> memref<1x5120xf32, #tpu.memory_space<vmem>>
      %dma_start3A_14 = tpu.memref_squeeze %dma_start3A_13 : memref<1x5120xf32, #tpu.memory_space<vmem>> -> memref<5120xf32, #tpu.memory_space<vmem>>
      %dma_start3A_15 = arith.constant 0 : i32
      %dma_start3A_16 = tpu.memref_slice %arg3[%dma_start3A_10, %add3A_4, %dma_start3A_15] : memref<4x21x5120xf32, #tpu.memory_space<hbm>> -> memref<1x1x5120xf32, #tpu.memory_space<hbm>>
      %dma_start3A_17 = tpu.memref_squeeze %dma_start3A_16 : memref<1x1x5120xf32, #tpu.memory_space<hbm>> -> memref<5120xf32, #tpu.memory_space<hbm>>
      %dma_start3A_18 = arith.constant 0 : i32
      %dma_start3A_19 = tpu.memref_slice %arg8[%dma_start3A_11, %dma_start3A_18] : memref<4x5120xf32, #tpu.memory_space<vmem>> -> memref<1x5120xf32, #tpu.memory_space<vmem>>
      %dma_start3A_20 = tpu.memref_squeeze %dma_start3A_19 : memref<1x5120xf32, #tpu.memory_space<vmem>> -> memref<5120xf32, #tpu.memory_space<vmem>>
      %dma_start3A_21 = arith.constant 0 : i32
      %dma_start3A_22 = tpu.memref_slice %arg3[%dma_start3A_10, %add3A_4, %dma_start3A_21] : memref<4x21x5120xf32, #tpu.memory_space<hbm>> -> memref<1x1x5120xf32, #tpu.memory_space<hbm>>
      %dma_start3A_23 = tpu.memref_squeeze %dma_start3A_22 : memref<1x1x5120xf32, #tpu.memory_space<hbm>> -> memref<5120xf32, #tpu.memory_space<hbm>>
      tpu.enqueue_dma source(%dma_start3A_23 : memref<5120xf32, #tpu.memory_space<hbm>>) target(%dma_start3A_20 : memref<5120xf32, #tpu.memory_space<vmem>>) target_semaphore(%arg15 : memref<!tpu.dma_semaphore, #tpu.memory_space<semaphore_mem>>)
      %dma_start3A_24 = arith.constant 1 : i32
      %dma_start3A_25 = arith.constant 1 : i32
      %dma_start3A_26 = arith.constant 0 : i32
      %dma_start3A_27 = tpu.memref_slice %arg8[%dma_start3A_25, %dma_start3A_26] : memref<4x5120xf32, #tpu.memory_space<vmem>> -> memref<1x5120xf32, #tpu.memory_space<vmem>>
      %dma_start3A_28 = tpu.memref_squeeze %dma_start3A_27 : memref<1x5120xf32, #tpu.memory_space<vmem>> -> memref<5120xf32, #tpu.memory_space<vmem>>
      %dma_start3A_29 = arith.constant 0 : i32
      %dma_start3A_30 = tpu.memref_slice %arg3[%dma_start3A_24, %add3A_4, %dma_start3A_29] : memref<4x21x5120xf32, #tpu.memory_space<hbm>> -> memref<1x1x5120xf32, #tpu.memory_space<hbm>>
      %dma_start3A_31 = tpu.memref_squeeze %dma_start3A_30 : memref<1x1x5120xf32, #tpu.memory_space<hbm>> -> memref<5120xf32, #tpu.memory_space<hbm>>
      %dma_start3A_32 = arith.constant 0 : i32
      %dma_start3A_33 = tpu.memref_slice %arg8[%dma_start3A_25, %dma_start3A_32] : memref<4x5120xf32, #tpu.memory_space<vmem>> -> memref<1x5120xf32, #tpu.memory_space<vmem>>
      %dma_start3A_34 = tpu.memref_squeeze %dma_start3A_33 : memref<1x5120xf32, #tpu.memory_space<vmem>> -> memref<5120xf32, #tpu.memory_space<vmem>>
      %dma_start3A_35 = arith.constant 0 : i32
      %dma_start3A_36 = tpu.memref_slice %arg3[%dma_start3A_24, %add3A_4, %dma_start3A_35] : memref<4x21x5120xf32, #tpu.memory_space<hbm>> -> memref<1x1x5120xf32, #tpu.memory_space<hbm>>
      %dma_start3A_37 = tpu.memref_squeeze %dma_start3A_36 : memref<1x1x5120xf32, #tpu.memory_space<hbm>> -> memref<5120xf32, #tpu.memory_space<hbm>>
      tpu.enqueue_dma source(%dma_start3A_37 : memref<5120xf32, #tpu.memory_space<hbm>>) target(%dma_start3A_34 : memref<5120xf32, #tpu.memory_space<vmem>>) target_semaphore(%arg15 : memref<!tpu.dma_semaphore, #tpu.memory_space<semaphore_mem>>)
      %dma_start3A_38 = arith.constant 2 : i32
      %dma_start3A_39 = arith.constant 2 : i32
      %dma_start3A_40 = arith.constant 0 : i32
      %dma_start3A_41 = tpu.memref_slice %arg8[%dma_start3A_39, %dma_start3A_40] : memref<4x5120xf32, #tpu.memory_space<vmem>> -> memref<1x5120xf32, #tpu.memory_space<vmem>>
      %dma_start3A_42 = tpu.memref_squeeze %dma_start3A_41 : memref<1x5120xf32, #tpu.memory_space<vmem>> -> memref<5120xf32, #tpu.memory_space<vmem>>
      %dma_start3A_43 = arith.constant 0 : i32
      %dma_start3A_44 = tpu.memref_slice %arg3[%dma_start3A_38, %add3A_4, %dma_start3A_43] : memref<4x21x5120xf32, #tpu.memory_space<hbm>> -> memref<1x1x5120xf32, #tpu.memory_space<hbm>>
      %dma_start3A_45 = tpu.memref_squeeze %dma_start3A_44 : memref<1x1x5120xf32, #tpu.memory_space<hbm>> -> memref<5120xf32, #tpu.memory_space<hbm>>
      %dma_start3A_46 = arith.constant 0 : i32
      %dma_start3A_47 = tpu.memref_slice %arg8[%dma_start3A_39, %dma_start3A_46] : memref<4x5120xf32, #tpu.memory_space<vmem>> -> memref<1x5120xf32, #tpu.memory_space<vmem>>
      %dma_start3A_48 = tpu.memref_squeeze %dma_start3A_47 : memref<1x5120xf32, #tpu.memory_space<vmem>> -> memref<5120xf32, #tpu.memory_space<vmem>>
      %dma_start3A_49 = arith.constant 0 : i32
      %dma_start3A_50 = tpu.memref_slice %arg3[%dma_start3A_38, %add3A_4, %dma_start3A_49] : memref<4x21x5120xf32, #tpu.memory_space<hbm>> -> memref<1x1x5120xf32, #tpu.memory_space<hbm>>
      %dma_start3A_51 = tpu.memref_squeeze %dma_start3A_50 : memref<1x1x5120xf32, #tpu.memory_space<hbm>> -> memref<5120xf32, #tpu.memory_space<hbm>>
      tpu.enqueue_dma source(%dma_start3A_51 : memref<5120xf32, #tpu.memory_space<hbm>>) target(%dma_start3A_48 : memref<5120xf32, #tpu.memory_space<vmem>>) target_semaphore(%arg15 : memref<!tpu.dma_semaphore, #tpu.memory_space<semaphore_mem>>)
      %dma_start3A_52 = arith.constant 3 : i32
      %dma_start3A_53 = arith.constant 3 : i32
      %dma_start3A_54 = arith.constant 0 : i32
      %dma_start3A_55 = tpu.memref_slice %arg8[%dma_start3A_53, %dma_start3A_54] : memref<4x5120xf32, #tpu.memory_space<vmem>> -> memref<1x5120xf32, #tpu.memory_space<vmem>>
      %dma_start3A_56 = tpu.memref_squeeze %dma_start3A_55 : memref<1x5120xf32, #tpu.memory_space<vmem>> -> memref<5120xf32, #tpu.memory_space<vmem>>
      %dma_start3A_57 = arith.constant 0 : i32
      %dma_start3A_58 = tpu.memref_slice %arg3[%dma_start3A_52, %add3A_4, %dma_start3A_57] : memref<4x21x5120xf32, #tpu.memory_space<hbm>> -> memref<1x1x5120xf32, #tpu.memory_space<hbm>>
      %dma_start3A_59 = tpu.memref_squeeze %dma_start3A_58 : memref<1x1x5120xf32, #tpu.memory_space<hbm>> -> memref<5120xf32, #tpu.memory_space<hbm>>
      %dma_start3A_60 = arith.constant 0 : i32
      %dma_start3A_61 = tpu.memref_slice %arg8[%dma_start3A_53, %dma_start3A_60] : memref<4x5120xf32, #tpu.memory_space<vmem>> -> memref<1x5120xf32, #tpu.memory_space<vmem>>
      %dma_start3A_62 = tpu.memref_squeeze %dma_start3A_61 : memref<1x5120xf32, #tpu.memory_space<vmem>> -> memref<5120xf32, #tpu.memory_space<vmem>>
      %dma_start3A_63 = arith.constant 0 : i32
      %dma_start3A_64 = tpu.memref_slice %arg3[%dma_start3A_52, %add3A_4, %dma_start3A_63] : memref<4x21x5120xf32, #tpu.memory_space<hbm>> -> memref<1x1x5120xf32, #tpu.memory_space<hbm>>
      %dma_start3A_65 = tpu.memref_squeeze %dma_start3A_64 : memref<1x1x5120xf32, #tpu.memory_space<hbm>> -> memref<5120xf32, #tpu.memory_space<hbm>>
      tpu.enqueue_dma source(%dma_start3A_65 : memref<5120xf32, #tpu.memory_space<hbm>>) target(%dma_start3A_62 : memref<5120xf32, #tpu.memory_space<vmem>>) target_semaphore(%arg15 : memref<!tpu.dma_semaphore, #tpu.memory_space<semaphore_mem>>)
      %iota3A = tpu.iota {dimensions = array<i32: 0>} : vector<16xi32>
      %broadcast_in_dim3A = arith.constant 0.000000e+00 : f32
      %broadcast_in_dim3A_66 = vector.broadcast %broadcast_in_dim3A : f32 to vector<16xf32>
      %broadcast_in_dim3A_67 = arith.constant -1.000000e+00 : f32
      %broadcast_in_dim3A_68 = vector.broadcast %broadcast_in_dim3A_67 : f32 to vector<16xf32>
      %parallel_loop3A = arith.constant 0 : i32
      %parallel_loop3A_69 = arith.constant 32 : i32
      %parallel_loop3A_70 = arith.constant 1 : i32
      scf.for %parallel_loop3A_168 = %parallel_loop3A to %parallel_loop3A_69 step %parallel_loop3A_70  : i32 {
        %parallel_loop3A_169 = arith.constant 16 : i32
        %parallel_loop3A_170 = arith.muli %parallel_loop3A_168, %parallel_loop3A_169 : i32
        %parallel_loop3A_171 = arith.index_cast %parallel_loop3A_170 : i32 to index
        %parallel_loop3A_172 = tpu.vector_load %arg12[%parallel_loop3A_171] {strides = array<i32>} : memref<512xf32, #tpu.memory_space<vmem>>, vector<16xf32>,
        tpu.vector_store %arg12[%parallel_loop3A_171], %broadcast_in_dim3A_66 {strides = array<i32>} : memref<512xf32, #tpu.memory_space<vmem>>, vector<16xf32>,
      } {sc.loop_unroll_factor = 4 : i64, sc.parallel_access}
      %parallel_loop3A_71 = arith.constant 0 : i32
      %parallel_loop3A_72 = arith.constant 8 : i32
      %parallel_loop3A_73 = arith.constant 1 : i32
      scf.for %parallel_loop3A_168 = %parallel_loop3A_71 to %parallel_loop3A_72 step %parallel_loop3A_73  : i32 {
        %parallel_loop3A_169 = arith.constant 16 : i32
        %parallel_loop3A_170 = arith.muli %parallel_loop3A_168, %parallel_loop3A_169 : i32
        %parallel_loop3A_171 = arith.index_cast %parallel_loop3A_170 : i32 to index
        %parallel_loop3A_172 = tpu.vector_load %arg13[%parallel_loop3A_171] {strides = array<i32>} : memref<128xf32, #tpu.memory_space<vmem>>, vector<16xf32>,
        tpu.vector_store %arg13[%parallel_loop3A_171], %broadcast_in_dim3A_66 {strides = array<i32>} : memref<128xf32, #tpu.memory_space<vmem>>, vector<16xf32>,
        %parallel_loop3A_173 = arith.constant 16 : i32
        %parallel_loop3A_174 = arith.muli %parallel_loop3A_168, %parallel_loop3A_173 : i32
        %parallel_loop3A_175 = arith.constant 0 : i32
        %parallel_loop3A_176 = arith.index_cast %parallel_loop3A_175 : i32 to index
        %parallel_loop3A_177 = arith.index_cast %parallel_loop3A_174 : i32 to index
        %parallel_loop3A_178 = tpu.vector_load %arg11[%parallel_loop3A_176, %parallel_loop3A_177] {strides = array<i32>} : memref<5x128xf32, #tpu.memory_space<vmem>>, vector<16xf32>,
        tpu.vector_store %arg11[%parallel_loop3A_176, %parallel_loop3A_177], %broadcast_in_dim3A_66 {strides = array<i32>} : memref<5x128xf32, #tpu.memory_space<vmem>>, vector<16xf32>,
        %parallel_loop3A_179 = arith.constant 16 : i32
        %parallel_loop3A_180 = arith.muli %parallel_loop3A_168, %parallel_loop3A_179 : i32
        %parallel_loop3A_181 = arith.constant 1 : i32
        %parallel_loop3A_182 = arith.index_cast %parallel_loop3A_181 : i32 to index
        %parallel_loop3A_183 = arith.index_cast %parallel_loop3A_180 : i32 to index
        %parallel_loop3A_184 = tpu.vector_load %arg11[%parallel_loop3A_182, %parallel_loop3A_183] {strides = array<i32>} : memref<5x128xf32, #tpu.memory_space<vmem>>, vector<16xf32>,
        tpu.vector_store %arg11[%parallel_loop3A_182, %parallel_loop3A_183], %broadcast_in_dim3A_66 {strides = array<i32>} : memref<5x128xf32, #tpu.memory_space<vmem>>, vector<16xf32>,
        %parallel_loop3A_185 = arith.constant 16 : i32
        %parallel_loop3A_186 = arith.muli %parallel_loop3A_168, %parallel_loop3A_185 : i32
        %parallel_loop3A_187 = arith.constant 2 : i32
        %parallel_loop3A_188 = arith.index_cast %parallel_loop3A_187 : i32 to index
        %parallel_loop3A_189 = arith.index_cast %parallel_loop3A_186 : i32 to index
        %parallel_loop3A_190 = tpu.vector_load %arg11[%parallel_loop3A_188, %parallel_loop3A_189] {strides = array<i32>} : memref<5x128xf32, #tpu.memory_space<vmem>>, vector<16xf32>,
        tpu.vector_store %arg11[%parallel_loop3A_188, %parallel_loop3A_189], %broadcast_in_dim3A_66 {strides = array<i32>} : memref<5x128xf32, #tpu.memory_space<vmem>>, vector<16xf32>,
        %parallel_loop3A_191 = arith.constant 16 : i32
        %parallel_loop3A_192 = arith.muli %parallel_loop3A_168, %parallel_loop3A_191 : i32
        %parallel_loop3A_193 = arith.constant 3 : i32
        %parallel_loop3A_194 = arith.index_cast %parallel_loop3A_193 : i32 to index
        %parallel_loop3A_195 = arith.index_cast %parallel_loop3A_192 : i32 to index
        %parallel_loop3A_196 = tpu.vector_load %arg11[%parallel_loop3A_194, %parallel_loop3A_195] {strides = array<i32>} : memref<5x128xf32, #tpu.memory_space<vmem>>, vector<16xf32>,
        tpu.vector_store %arg11[%parallel_loop3A_194, %parallel_loop3A_195], %broadcast_in_dim3A_66 {strides = array<i32>} : memref<5x128xf32, #tpu.memory_space<vmem>>, vector<16xf32>,
        %parallel_loop3A_197 = arith.constant 16 : i32
        %parallel_loop3A_198 = arith.muli %parallel_loop3A_168, %parallel_loop3A_197 : i32
        %parallel_loop3A_199 = arith.constant 4 : i32
        %parallel_loop3A_200 = arith.index_cast %parallel_loop3A_199 : i32 to index
        %parallel_loop3A_201 = arith.index_cast %parallel_loop3A_198 : i32 to index
        %parallel_loop3A_202 = tpu.vector_load %arg11[%parallel_loop3A_200, %parallel_loop3A_201] {strides = array<i32>} : memref<5x128xf32, #tpu.memory_space<vmem>>, vector<16xf32>,
        tpu.vector_store %arg11[%parallel_loop3A_200, %parallel_loop3A_201], %broadcast_in_dim3A_66 {strides = array<i32>} : memref<5x128xf32, #tpu.memory_space<vmem>>, vector<16xf32>,
      } {sc.loop_unroll_factor = 2 : i64, sc.parallel_access}
      %parallel_loop3A_74 = arith.constant 0 : i32
      %parallel_loop3A_75 = arith.constant 21 : i32
      %parallel_loop3A_76 = arith.constant 1 : i32
      scf.for %parallel_loop3A_168 = %parallel_loop3A_74 to %parallel_loop3A_75 step %parallel_loop3A_76  : i32 {
        %parallel_loop3A_169 = arith.constant 16 : i32
        %parallel_loop3A_170 = arith.muli %parallel_loop3A_168, %parallel_loop3A_169 : i32
        %parallel_loop3A_171 = arith.index_cast %parallel_loop3A_170 : i32 to index
        %parallel_loop3A_172 = tpu.vector_load %arg9[%parallel_loop3A_171] {strides = array<i32>} : memref<336xf32, #tpu.memory_space<vmem>>, vector<16xf32>,
        tpu.vector_store %arg9[%parallel_loop3A_171], %broadcast_in_dim3A_68 {strides = array<i32>} : memref<336xf32, #tpu.memory_space<vmem>>, vector<16xf32>,
      } {sc.loop_unroll_factor = 4 : i64, sc.parallel_access}
      %swap3A = arith.constant 0 : index
      %swap3A_77 = tpu.vector_load %arg10[%swap3A] {strides = array<i32>} : memref<32xf32, #tpu.memory_space<vmem>>, vector<16xf32>,
      tpu.vector_store %arg10[%swap3A], %broadcast_in_dim3A_68 {strides = array<i32>} : memref<32xf32, #tpu.memory_space<vmem>>, vector<16xf32>,
      %swap3A_78 = arith.constant 16 : index
      %swap3A_79 = tpu.vector_load %arg10[%swap3A_78] {strides = array<i32>} : memref<32xf32, #tpu.memory_space<vmem>>, vector<16xf32>,
      tpu.vector_store %arg10[%swap3A_78], %broadcast_in_dim3A_68 {strides = array<i32>} : memref<32xf32, #tpu.memory_space<vmem>>, vector<16xf32>,
      %dma_wait3A = arith.constant 0 : i32
      %dma_wait3A_80 = tpu.memref_slice %arg2[%add3A_4, %dma_wait3A] : memref<21x5120xf32, #tpu.memory_space<hbm>> -> memref<1x5120xf32, #tpu.memory_space<hbm>>
      %dma_wait3A_81 = tpu.memref_squeeze %dma_wait3A_80 : memref<1x5120xf32, #tpu.memory_space<hbm>> -> memref<5120xf32, #tpu.memory_space<hbm>>
      %dma_wait3A_82 = arith.constant 0 : i32
      %dma_wait3A_83 = tpu.memref_slice %arg2[%add3A_4, %dma_wait3A_82] : memref<21x5120xf32, #tpu.memory_space<hbm>> -> memref<1x5120xf32, #tpu.memory_space<hbm>>
      %dma_wait3A_84 = tpu.memref_squeeze %dma_wait3A_83 : memref<1x5120xf32, #tpu.memory_space<hbm>> -> memref<5120xf32, #tpu.memory_space<hbm>>
      tpu.wait_dma2 semaphore(%arg15 : memref<!tpu.dma_semaphore, #tpu.memory_space<semaphore_mem>>) src(%dma_wait3A_84 : memref<5120xf32, #tpu.memory_space<hbm>>) dst(%arg7 : memref<5120xf32, #tpu.memory_space<vmem>>)
      %dma_wait3A_85 = arith.constant 0 : i32
      %dma_wait3A_86 = arith.constant 0 : i32
      %dma_wait3A_87 = arith.constant 0 : i32
      %dma_wait3A_88 = tpu.memref_slice %arg8[%dma_wait3A_86, %dma_wait3A_87] : memref<4x5120xf32, #tpu.memory_space<vmem>> -> memref<1x5120xf32, #tpu.memory_space<vmem>>
      %dma_wait3A_89 = tpu.memref_squeeze %dma_wait3A_88 : memref<1x5120xf32, #tpu.memory_space<vmem>> -> memref<5120xf32, #tpu.memory_space<vmem>>
      %dma_wait3A_90 = arith.constant 0 : i32
      %dma_wait3A_91 = tpu.memref_slice %arg3[%dma_wait3A_85, %add3A_4, %dma_wait3A_90] : memref<4x21x5120xf32, #tpu.memory_space<hbm>> -> memref<1x1x5120xf32, #tpu.memory_space<hbm>>
      %dma_wait3A_92 = tpu.memref_squeeze %dma_wait3A_91 : memref<1x1x5120xf32, #tpu.memory_space<hbm>> -> memref<5120xf32, #tpu.memory_space<hbm>>
      %dma_wait3A_93 = arith.constant 0 : i32
      %dma_wait3A_94 = tpu.memref_slice %arg8[%dma_wait3A_86, %dma_wait3A_93] : memref<4x5120xf32, #tpu.memory_space<vmem>> -> memref<1x5120xf32, #tpu.memory_space<vmem>>
      %dma_wait3A_95 = tpu.memref_squeeze %dma_wait3A_94 : memref<1x5120xf32, #tpu.memory_space<vmem>> -> memref<5120xf32, #tpu.memory_space<vmem>>
      %dma_wait3A_96 = arith.constant 0 : i32
      %dma_wait3A_97 = tpu.memref_slice %arg3[%dma_wait3A_85, %add3A_4, %dma_wait3A_96] : memref<4x21x5120xf32, #tpu.memory_space<hbm>> -> memref<1x1x5120xf32, #tpu.memory_space<hbm>>
      %dma_wait3A_98 = tpu.memref_squeeze %dma_wait3A_97 : memref<1x1x5120xf32, #tpu.memory_space<hbm>> -> memref<5120xf32, #tpu.memory_space<hbm>>
      tpu.wait_dma2 semaphore(%arg15 : memref<!tpu.dma_semaphore, #tpu.memory_space<semaphore_mem>>) src(%dma_wait3A_98 : memref<5120xf32, #tpu.memory_space<hbm>>) dst(%dma_wait3A_95 : memref<5120xf32, #tpu.memory_space<vmem>>)
      %dma_wait3A_99 = arith.constant 1 : i32
      %dma_wait3A_100 = arith.constant 1 : i32
      %dma_wait3A_101 = arith.constant 0 : i32
      %dma_wait3A_102 = tpu.memref_slice %arg8[%dma_wait3A_100, %dma_wait3A_101] : memref<4x5120xf32, #tpu.memory_space<vmem>> -> memref<1x5120xf32, #tpu.memory_space<vmem>>
      %dma_wait3A_103 = tpu.memref_squeeze %dma_wait3A_102 : memref<1x5120xf32, #tpu.memory_space<vmem>> -> memref<5120xf32, #tpu.memory_space<vmem>>
      %dma_wait3A_104 = arith.constant 0 : i32
      %dma_wait3A_105 = tpu.memref_slice %arg3[%dma_wait3A_99, %add3A_4, %dma_wait3A_104] : memref<4x21x5120xf32, #tpu.memory_space<hbm>> -> memref<1x1x5120xf32, #tpu.memory_space<hbm>>
      %dma_wait3A_106 = tpu.memref_squeeze %dma_wait3A_105 : memref<1x1x5120xf32, #tpu.memory_space<hbm>> -> memref<5120xf32, #tpu.memory_space<hbm>>
      %dma_wait3A_107 = arith.constant 0 : i32
      %dma_wait3A_108 = tpu.memref_slice %arg8[%dma_wait3A_100, %dma_wait3A_107] : memref<4x5120xf32, #tpu.memory_space<vmem>> -> memref<1x5120xf32, #tpu.memory_space<vmem>>
      %dma_wait3A_109 = tpu.memref_squeeze %dma_wait3A_108 : memref<1x5120xf32, #tpu.memory_space<vmem>> -> memref<5120xf32, #tpu.memory_space<vmem>>
      %dma_wait3A_110 = arith.constant 0 : i32
      %dma_wait3A_111 = tpu.memref_slice %arg3[%dma_wait3A_99, %add3A_4, %dma_wait3A_110] : memref<4x21x5120xf32, #tpu.memory_space<hbm>> -> memref<1x1x5120xf32, #tpu.memory_space<hbm>>
      %dma_wait3A_112 = tpu.memref_squeeze %dma_wait3A_111 : memref<1x1x5120xf32, #tpu.memory_space<hbm>> -> memref<5120xf32, #tpu.memory_space<hbm>>
      tpu.wait_dma2 semaphore(%arg15 : memref<!tpu.dma_semaphore, #tpu.memory_space<semaphore_mem>>) src(%dma_wait3A_112 : memref<5120xf32, #tpu.memory_space<hbm>>) dst(%dma_wait3A_109 : memref<5120xf32, #tpu.memory_space<vmem>>)
      %dma_wait3A_113 = arith.constant 2 : i32
      %dma_wait3A_114 = arith.constant 2 : i32
      %dma_wait3A_115 = arith.constant 0 : i32
      %dma_wait3A_116 = tpu.memref_slice %arg8[%dma_wait3A_114, %dma_wait3A_115] : memref<4x5120xf32, #tpu.memory_space<vmem>> -> memref<1x5120xf32, #tpu.memory_space<vmem>>
      %dma_wait3A_117 = tpu.memref_squeeze %dma_wait3A_116 : memref<1x5120xf32, #tpu.memory_space<vmem>> -> memref<5120xf32, #tpu.memory_space<vmem>>
      %dma_wait3A_118 = arith.constant 0 : i32
      %dma_wait3A_119 = tpu.memref_slice %arg3[%dma_wait3A_113, %add3A_4, %dma_wait3A_118] : memref<4x21x5120xf32, #tpu.memory_space<hbm>> -> memref<1x1x5120xf32, #tpu.memory_space<hbm>>
      %dma_wait3A_120 = tpu.memref_squeeze %dma_wait3A_119 : memref<1x1x5120xf32, #tpu.memory_space<hbm>> -> memref<5120xf32, #tpu.memory_space<hbm>>
      %dma_wait3A_121 = arith.constant 0 : i32
      %dma_wait3A_122 = tpu.memref_slice %arg8[%dma_wait3A_114, %dma_wait3A_121] : memref<4x5120xf32, #tpu.memory_space<vmem>> -> memref<1x5120xf32, #tpu.memory_space<vmem>>
      %dma_wait3A_123 = tpu.memref_squeeze %dma_wait3A_122 : memref<1x5120xf32, #tpu.memory_space<vmem>> -> memref<5120xf32, #tpu.memory_space<vmem>>
      %dma_wait3A_124 = arith.constant 0 : i32
      %dma_wait3A_125 = tpu.memref_slice %arg3[%dma_wait3A_113, %add3A_4, %dma_wait3A_124] : memref<4x21x5120xf32, #tpu.memory_space<hbm>> -> memref<1x1x5120xf32, #tpu.memory_space<hbm>>
      %dma_wait3A_126 = tpu.memref_squeeze %dma_wait3A_125 : memref<1x1x5120xf32, #tpu.memory_space<hbm>> -> memref<5120xf32, #tpu.memory_space<hbm>>
      tpu.wait_dma2 semaphore(%arg15 : memref<!tpu.dma_semaphore, #tpu.memory_space<semaphore_mem>>) src(%dma_wait3A_126 : memref<5120xf32, #tpu.memory_space<hbm>>) dst(%dma_wait3A_123 : memref<5120xf32, #tpu.memory_space<vmem>>)
      %dma_wait3A_127 = arith.constant 3 : i32
      %dma_wait3A_128 = arith.constant 3 : i32
      %dma_wait3A_129 = arith.constant 0 : i32
      %dma_wait3A_130 = tpu.memref_slice %arg8[%dma_wait3A_128, %dma_wait3A_129] : memref<4x5120xf32, #tpu.memory_space<vmem>> -> memref<1x5120xf32, #tpu.memory_space<vmem>>
      %dma_wait3A_131 = tpu.memref_squeeze %dma_wait3A_130 : memref<1x5120xf32, #tpu.memory_space<vmem>> -> memref<5120xf32, #tpu.memory_space<vmem>>
      %dma_wait3A_132 = arith.constant 0 : i32
      %dma_wait3A_133 = tpu.memref_slice %arg3[%dma_wait3A_127, %add3A_4, %dma_wait3A_132] : memref<4x21x5120xf32, #tpu.memory_space<hbm>> -> memref<1x1x5120xf32, #tpu.memory_space<hbm>>
      %dma_wait3A_134 = tpu.memref_squeeze %dma_wait3A_133 : memref<1x1x5120xf32, #tpu.memory_space<hbm>> -> memref<5120xf32, #tpu.memory_space<hbm>>
      %dma_wait3A_135 = arith.constant 0 : i32
      %dma_wait3A_136 = tpu.memref_slice %arg8[%dma_wait3A_128, %dma_wait3A_135] : memref<4x5120xf32, #tpu.memory_space<vmem>> -> memref<1x5120xf32, #tpu.memory_space<vmem>>
      %dma_wait3A_137 = tpu.memref_squeeze %dma_wait3A_136 : memref<1x5120xf32, #tpu.memory_space<vmem>> -> memref<5120xf32, #tpu.memory_space<vmem>>
      %dma_wait3A_138 = arith.constant 0 : i32
      %dma_wait3A_139 = tpu.memref_slice %arg3[%dma_wait3A_127, %add3A_4, %dma_wait3A_138] : memref<4x21x5120xf32, #tpu.memory_space<hbm>> -> memref<1x1x5120xf32, #tpu.memory_space<hbm>>
      %dma_wait3A_140 = tpu.memref_squeeze %dma_wait3A_139 : memref<1x1x5120xf32, #tpu.memory_space<hbm>> -> memref<5120xf32, #tpu.memory_space<hbm>>
      tpu.wait_dma2 semaphore(%arg15 : memref<!tpu.dma_semaphore, #tpu.memory_space<semaphore_mem>>) src(%dma_wait3A_140 : memref<5120xf32, #tpu.memory_space<hbm>>) dst(%dma_wait3A_137 : memref<5120xf32, #tpu.memory_space<vmem>>)
      %scan3A = arith.constant 0 : i32
      %scan3A_141 = arith.constant 0 : i32
      %scan3A_142 = arith.constant 80 : i32
      %scan3A_143 = arith.addi %scan3A_141, %scan3A_142 : i32
      %scan3A_144 = arith.constant 1 : i32
      %scan3A_145 = scf.for %scan3A_168 = %scan3A_141 to %scan3A_143 step %scan3A_144 iter_args(%scan3A_169 = %scan3A) -> (i32)  : i32 {
        %mul3A_170 = arith.constant 4 : i32
        %mul3A_171 = arith.muli %scan3A_168, %mul3A_170 : i32
        %add3A_172 = arith.constant 0 : i32
        %add3A_173 = arith.addi %mul3A_171, %add3A_172 : i32
        %mul3A_174 = arith.constant 16 : i32
        %mul3A_175 = arith.muli %add3A_173, %mul3A_174 : i32
        %get3A_176 = arith.index_cast %mul3A_175 : i32 to index
        %get3A_177 = tpu.vector_load %arg7[%get3A_176] {strides = array<i32>} : memref<5120xf32, #tpu.memory_space<vmem>>, vector<16xf32>,
        %gt3A = arith.constant 5.000000e-02 : f32
        %gt3A_178 = vector.broadcast %gt3A : f32 to vector<16xf32>
        %gt3A_179 = arith.cmpf ogt, %get3A_177, %gt3A_178 : vector<16xf32>
        %jit3A = arith.constant -1.000000e+00 : f32
        %broadcast_in_dim3A_180 = vector.broadcast %jit3A : f32 to vector<16xf32>
        %select_n3A = arith.select %gt3A_179, %get3A_177, %broadcast_in_dim3A_180 : vector<16xi1>, vector<16xf32>
        %mul3A_181 = arith.constant 16 : i32
        %mul3A_182 = arith.muli %add3A_173, %mul3A_181 : i32
        %swap3A_183 = arith.index_cast %mul3A_182 : i32 to index
        %swap3A_184 = tpu.vector_load %arg7[%swap3A_183] {strides = array<i32>} : memref<5120xf32, #tpu.memory_space<vmem>>, vector<16xf32>,
        tpu.vector_store %arg7[%swap3A_183], %select_n3A {strides = array<i32>} : memref<5120xf32, #tpu.memory_space<vmem>>, vector<16xf32>,
        %broadcast_in_dim3A_185 = vector.broadcast %add3A_173 : i32 to vector<16xi32>
        %reduce_max3A_186 = arith.constant true
        %reduce_max3A_187 = vector.broadcast %reduce_max3A_186 : i1 to vector<16xi1>
        %reduce_max3A_188 = tpu.scan <max>, %select_n3A masked %reduce_max3A_187 : vector<16xf32>, vector<16xi1> -> vector<16xf32>
        %reduce_max3A_189 = vector.extract %reduce_max3A_188[15] : f32 from vector<16xf32>
        %broadcast_in_dim3A_190 = vector.broadcast %reduce_max3A_189 : f32 to vector<16xf32>
        %eq3A = arith.constant 0 : i32
        %eq3A_191 = vector.broadcast %eq3A : i32 to vector<16xi32>
        %eq3A_192 = arith.cmpi eq, %iota3A, %eq3A_191 : vector<16xi32>
        tpu.vector_store_idx %arg9[%broadcast_in_dim3A_185], %broadcast_in_dim3A_190 masked %eq3A_192 : memref<336xf32, #tpu.memory_space<vmem>>[vector<16xi32>], vector<16xf32>, vector<16xi1>
        %mul3A_193 = arith.constant 4 : i32
        %mul3A_194 = arith.muli %scan3A_168, %mul3A_193 : i32
        %add3A_195 = arith.constant 1 : i32
        %add3A_196 = arith.addi %mul3A_194, %add3A_195 : i32
        %mul3A_197 = arith.constant 16 : i32
        %mul3A_198 = arith.muli %add3A_196, %mul3A_197 : i32
        %get3A_199 = arith.index_cast %mul3A_198 : i32 to index
        %get3A_200 = tpu.vector_load %arg7[%get3A_199] {strides = array<i32>} : memref<5120xf32, #tpu.memory_space<vmem>>, vector<16xf32>,
        %gt3A_201 = arith.constant 5.000000e-02 : f32
        %gt3A_202 = vector.broadcast %gt3A_201 : f32 to vector<16xf32>
        %gt3A_203 = arith.cmpf ogt, %get3A_200, %gt3A_202 : vector<16xf32>
        %jit3A_204 = arith.constant -1.000000e+00 : f32
        %broadcast_in_dim3A_205 = vector.broadcast %jit3A_204 : f32 to vector<16xf32>
        %select_n3A_206 = arith.select %gt3A_203, %get3A_200, %broadcast_in_dim3A_205 : vector<16xi1>, vector<16xf32>
        %mul3A_207 = arith.constant 16 : i32
        %mul3A_208 = arith.muli %add3A_196, %mul3A_207 : i32
        %swap3A_209 = arith.index_cast %mul3A_208 : i32 to index
        %swap3A_210 = tpu.vector_load %arg7[%swap3A_209] {strides = array<i32>} : memref<5120xf32, #tpu.memory_space<vmem>>, vector<16xf32>,
        tpu.vector_store %arg7[%swap3A_209], %select_n3A_206 {strides = array<i32>} : memref<5120xf32, #tpu.memory_space<vmem>>, vector<16xf32>,
        %broadcast_in_dim3A_211 = vector.broadcast %add3A_196 : i32 to vector<16xi32>
        %reduce_max3A_212 = arith.constant true
        %reduce_max3A_213 = vector.broadcast %reduce_max3A_212 : i1 to vector<16xi1>
        %reduce_max3A_214 = tpu.scan <max>, %select_n3A_206 masked %reduce_max3A_213 : vector<16xf32>, vector<16xi1> -> vector<16xf32>
        %reduce_max3A_215 = vector.extract %reduce_max3A_214[15] : f32 from vector<16xf32>
        %broadcast_in_dim3A_216 = vector.broadcast %reduce_max3A_215 : f32 to vector<16xf32>
        %eq3A_217 = arith.constant 0 : i32
        %eq3A_218 = vector.broadcast %eq3A_217 : i32 to vector<16xi32>
        %eq3A_219 = arith.cmpi eq, %iota3A, %eq3A_218 : vector<16xi32>
        tpu.vector_store_idx %arg9[%broadcast_in_dim3A_211], %broadcast_in_dim3A_216 masked %eq3A_219 : memref<336xf32, #tpu.memory_space<vmem>>[vector<16xi32>], vector<16xf32>, vector<16xi1>
        %mul3A_220 = arith.constant 4 : i32
        %mul3A_221 = arith.muli %scan3A_168, %mul3A_220 : i32
        %add3A_222 = arith.constant 2 : i32
        %add3A_223 = arith.addi %mul3A_221, %add3A_222 : i32
        %mul3A_224 = arith.constant 16 : i32
        %mul3A_225 = arith.muli %add3A_223, %mul3A_224 : i32
        %get3A_226 = arith.index_cast %mul3A_225 : i32 to index
        %get3A_227 = tpu.vector_load %arg7[%get3A_226] {strides = array<i32>} : memref<5120xf32, #tpu.memory_space<vmem>>, vector<16xf32>,
        %gt3A_228 = arith.constant 5.000000e-02 : f32
        %gt3A_229 = vector.broadcast %gt3A_228 : f32 to vector<16xf32>
        %gt3A_230 = arith.cmpf ogt, %get3A_227, %gt3A_229 : vector<16xf32>
        %jit3A_231 = arith.constant -1.000000e+00 : f32
        %broadcast_in_dim3A_232 = vector.broadcast %jit3A_231 : f32 to vector<16xf32>
        %select_n3A_233 = arith.select %gt3A_230, %get3A_227, %broadcast_in_dim3A_232 : vector<16xi1>, vector<16xf32>
        %mul3A_234 = arith.constant 16 : i32
        %mul3A_235 = arith.muli %add3A_223, %mul3A_234 : i32
        %swap3A_236 = arith.index_cast %mul3A_235 : i32 to index
        %swap3A_237 = tpu.vector_load %arg7[%swap3A_236] {strides = array<i32>} : memref<5120xf32, #tpu.memory_space<vmem>>, vector<16xf32>,
        tpu.vector_store %arg7[%swap3A_236], %select_n3A_233 {strides = array<i32>} : memref<5120xf32, #tpu.memory_space<vmem>>, vector<16xf32>,
        %broadcast_in_dim3A_238 = vector.broadcast %add3A_223 : i32 to vector<16xi32>
        %reduce_max3A_239 = arith.constant true
        %reduce_max3A_240 = vector.broadcast %reduce_max3A_239 : i1 to vector<16xi1>
        %reduce_max3A_241 = tpu.scan <max>, %select_n3A_233 masked %reduce_max3A_240 : vector<16xf32>, vector<16xi1> -> vector<16xf32>
        %reduce_max3A_242 = vector.extract %reduce_max3A_241[15] : f32 from vector<16xf32>
        %broadcast_in_dim3A_243 = vector.broadcast %reduce_max3A_242 : f32 to vector<16xf32>
        %eq3A_244 = arith.constant 0 : i32
        %eq3A_245 = vector.broadcast %eq3A_244 : i32 to vector<16xi32>
        %eq3A_246 = arith.cmpi eq, %iota3A, %eq3A_245 : vector<16xi32>
        tpu.vector_store_idx %arg9[%broadcast_in_dim3A_238], %broadcast_in_dim3A_243 masked %eq3A_246 : memref<336xf32, #tpu.memory_space<vmem>>[vector<16xi32>], vector<16xf32>, vector<16xi1>
        %mul3A_247 = arith.constant 4 : i32
        %mul3A_248 = arith.muli %scan3A_168, %mul3A_247 : i32
        %add3A_249 = arith.constant 3 : i32
        %add3A_250 = arith.addi %mul3A_248, %add3A_249 : i32
        %mul3A_251 = arith.constant 16 : i32
        %mul3A_252 = arith.muli %add3A_250, %mul3A_251 : i32
        %get3A_253 = arith.index_cast %mul3A_252 : i32 to index
        %get3A_254 = tpu.vector_load %arg7[%get3A_253] {strides = array<i32>} : memref<5120xf32, #tpu.memory_space<vmem>>, vector<16xf32>,
        %gt3A_255 = arith.constant 5.000000e-02 : f32
        %gt3A_256 = vector.broadcast %gt3A_255 : f32 to vector<16xf32>
        %gt3A_257 = arith.cmpf ogt, %get3A_254, %gt3A_256 : vector<16xf32>
        %jit3A_258 = arith.constant -1.000000e+00 : f32
        %broadcast_in_dim3A_259 = vector.broadcast %jit3A_258 : f32 to vector<16xf32>
        %select_n3A_260 = arith.select %gt3A_257, %get3A_254, %broadcast_in_dim3A_259 : vector<16xi1>, vector<16xf32>
        %mul3A_261 = arith.constant 16 : i32
        %mul3A_262 = arith.muli %add3A_250, %mul3A_261 : i32
        %swap3A_263 = arith.index_cast %mul3A_262 : i32 to index
        %swap3A_264 = tpu.vector_load %arg7[%swap3A_263] {strides = array<i32>} : memref<5120xf32, #tpu.memory_space<vmem>>, vector<16xf32>,
        tpu.vector_store %arg7[%swap3A_263], %select_n3A_260 {strides = array<i32>} : memref<5120xf32, #tpu.memory_space<vmem>>, vector<16xf32>,
        %broadcast_in_dim3A_265 = vector.broadcast %add3A_250 : i32 to vector<16xi32>
        %reduce_max3A_266 = arith.constant true
        %reduce_max3A_267 = vector.broadcast %reduce_max3A_266 : i1 to vector<16xi1>
        %reduce_max3A_268 = tpu.scan <max>, %select_n3A_260 masked %reduce_max3A_267 : vector<16xf32>, vector<16xi1> -> vector<16xf32>
        %reduce_max3A_269 = vector.extract %reduce_max3A_268[15] : f32 from vector<16xf32>
        %broadcast_in_dim3A_270 = vector.broadcast %reduce_max3A_269 : f32 to vector<16xf32>
        %eq3A_271 = arith.constant 0 : i32
        %eq3A_272 = vector.broadcast %eq3A_271 : i32 to vector<16xi32>
        %eq3A_273 = arith.cmpi eq, %iota3A, %eq3A_272 : vector<16xi32>
        tpu.vector_store_idx %arg9[%broadcast_in_dim3A_265], %broadcast_in_dim3A_270 masked %eq3A_273 : memref<336xf32, #tpu.memory_space<vmem>>[vector<16xi32>], vector<16xf32>, vector<16xi1>
        %scan3A_274 = arith.constant 0 : i32
        scf.yield %scan3A_274 : i32
      }
      %scan3A_146 = arith.constant 80 : i32
      %scan3A_147 = arith.constant 0 : i32
      %scan3A_148 = arith.constant 0 : i32
      %scan3A_149 = arith.constant 20 : i32
      %scan3A_150 = arith.addi %scan3A_148, %scan3A_149 : i32
      %scan3A_151 = arith.constant 1 : i32
      %scan3A_152 = scf.for %scan3A_168 = %scan3A_148 to %scan3A_150 step %scan3A_151 iter_args(%scan3A_169 = %scan3A_147) -> (i32)  : i32 {
        %mul3A_170 = arith.constant 16 : i32
        %mul3A_171 = arith.muli %scan3A_168, %mul3A_170 : i32
        %get3A_172 = arith.index_cast %mul3A_171 : i32 to index
        %get3A_173 = tpu.vector_load %arg9[%get3A_172] {strides = array<i32>} : memref<336xf32, #tpu.memory_space<vmem>>, vector<16xf32>,
        %broadcast_in_dim3A_174 = vector.broadcast %scan3A_168 : i32 to vector<16xi32>
        %reduce_max3A_175 = arith.constant true
        %reduce_max3A_176 = vector.broadcast %reduce_max3A_175 : i1 to vector<16xi1>
        %reduce_max3A_177 = tpu.scan <max>, %get3A_173 masked %reduce_max3A_176 : vector<16xf32>, vector<16xi1> -> vector<16xf32>
        %reduce_max3A_178 = vector.extract %reduce_max3A_177[15] : f32 from vector<16xf32>
        %broadcast_in_dim3A_179 = vector.broadcast %reduce_max3A_178 : f32 to vector<16xf32>
        %eq3A = arith.constant 0 : i32
        %eq3A_180 = vector.broadcast %eq3A : i32 to vector<16xi32>
        %eq3A_181 = arith.cmpi eq, %iota3A, %eq3A_180 : vector<16xi32>
        tpu.vector_store_idx %arg10[%broadcast_in_dim3A_174], %broadcast_in_dim3A_179 masked %eq3A_181 : memref<32xf32, #tpu.memory_space<vmem>>[vector<16xi32>], vector<16xf32>, vector<16xi1>
        %scan3A_182 = arith.constant 0 : i32
        scf.yield %scan3A_182 : i32
      }
      %scan3A_153 = arith.constant 20 : i32
      %get3A = arith.constant 0 : index
      %get3A_154 = tpu.vector_load %arg10[%get3A] {strides = array<i32>} : memref<32xf32, #tpu.memory_space<vmem>>, vector<16xf32>,
      %get3A_155 = arith.constant 16 : index
      %get3A_156 = tpu.vector_load %arg10[%get3A_155] {strides = array<i32>} : memref<32xf32, #tpu.memory_space<vmem>>, vector<16xf32>,
      %max3A = arith.maximumf %get3A_154, %get3A_156 : vector<16xf32>
      %reduce_max3A = arith.constant true
      %reduce_max3A_157 = vector.broadcast %reduce_max3A : i1 to vector<16xi1>
      %reduce_max3A_158 = tpu.scan <max>, %max3A masked %reduce_max3A_157 : vector<16xf32>, vector<16xi1> -> vector<16xf32>
      %reduce_max3A_159 = vector.extract %reduce_max3A_158[15] : f32 from vector<16xf32>
      %while3A = arith.constant 0 : i32
      %while3A_160:2 = scf.while (%while3A_168 = %while3A, %while3A_169 = %reduce_max3A_159) : (i32, f32) -> (i32, f32) {
        %lt3A_170 = arith.constant 100 : i32
        %lt3A_171 = arith.cmpi slt, %while3A_168, %lt3A_170 : i32
        %gt3A = arith.constant 0.000000e+00 : f32
        %gt3A_172 = arith.cmpf ogt, %while3A_169, %gt3A : f32
        %and3A = arith.andi %lt3A_171, %gt3A_172 : i1
        scf.condition(%and3A) %while3A_168, %while3A_169 : i32, f32
      } do {
      ^bb0(%while3A_168: i32, %while3A_169: f32):
        %get3A_170 = arith.constant 0 : index
        %get3A_171 = tpu.vector_load %arg10[%get3A_170] {strides = array<i32>} : memref<32xf32, #tpu.memory_space<vmem>>, vector<16xf32>,
        %get3A_172 = arith.constant 16 : index
        %get3A_173 = tpu.vector_load %arg10[%get3A_172] {strides = array<i32>} : memref<32xf32, #tpu.memory_space<vmem>>, vector<16xf32>,
        %ge3A = vector.broadcast %while3A_169 : f32 to vector<16xf32>
        %ge3A_174 = arith.cmpf oge, %get3A_171, %ge3A : vector<16xf32>
        %all_reduce_ffs3A = tpu.all_reduce %ge3A_174 {dim = 0 : i64, kind = #tpu.reduction_kind<find_first_set>} : vector<16xi1> -> vector<16xi32>
        %slice3A = vector.extract_strided_slice %all_reduce_ffs3A {offsets = [0], sizes = [1], strides = [1]} : vector<16xi32> to vector<1xi32>
        %squeeze3A = vector.extract %slice3A[0] : i32 from vector<1xi32>
        %ge3A_175 = vector.broadcast %while3A_169 : f32 to vector<16xf32>
        %ge3A_176 = arith.cmpf oge, %get3A_173, %ge3A_175 : vector<16xf32>
        %all_reduce_ffs3A_177 = tpu.all_reduce %ge3A_176 {dim = 0 : i64, kind = #tpu.reduction_kind<find_first_set>} : vector<16xi1> -> vector<16xi32>
        %slice3A_178 = vector.extract_strided_slice %all_reduce_ffs3A_177 {offsets = [0], sizes = [1], strides = [1]} : vector<16xi32> to vector<1xi32>
        %squeeze3A_179 = vector.extract %slice3A_178[0] : i32 from vector<1xi32>
        %lt3A_180 = arith.constant 16 : i32
        %lt3A_181 = arith.cmpi slt, %squeeze3A, %lt3A_180 : i32
        %add3A_182 = arith.constant 16 : i32
        %add3A_183 = arith.addi %add3A_182, %squeeze3A_179 : i32
        %select_n3A = arith.select %lt3A_181, %squeeze3A, %add3A_183 : i32
        %mul3A_184 = arith.constant 16 : i32
        %mul3A_185 = arith.muli %select_n3A, %mul3A_184 : i32
        %get3A_186 = arith.index_cast %mul3A_185 : i32 to index
        %get3A_187 = tpu.vector_load %arg9[%get3A_186] {strides = array<i32>} : memref<336xf32, #tpu.memory_space<vmem>>, vector<16xf32>,
        %ge3A_188 = vector.broadcast %while3A_169 : f32 to vector<16xf32>
        %ge3A_189 = arith.cmpf oge, %get3A_187, %ge3A_188 : vector<16xf32>
        %all_reduce_ffs3A_190 = tpu.all_reduce %ge3A_189 {dim = 0 : i64, kind = #tpu.reduction_kind<find_first_set>} : vector<16xi1> -> vector<16xi32>
        %slice3A_191 = vector.extract_strided_slice %all_reduce_ffs3A_190 {offsets = [0], sizes = [1], strides = [1]} : vector<16xi32> to vector<1xi32>
        %squeeze3A_192 = vector.extract %slice3A_191[0] : i32 from vector<1xi32>
        %mul3A_193 = arith.constant 16 : i32
        %mul3A_194 = arith.muli %select_n3A, %mul3A_193 : i32
        %add3A_195 = arith.addi %mul3A_194, %squeeze3A_192 : i32
        %mul3A_196 = arith.constant 16 : i32
        %mul3A_197 = arith.muli %add3A_195, %mul3A_196 : i32
        %get3A_198 = arith.index_cast %mul3A_197 : i32 to index
        %get3A_199 = tpu.vector_load %arg7[%get3A_198] {strides = array<i32>} : memref<5120xf32, #tpu.memory_space<vmem>>, vector<16xf32>,
        %ge3A_200 = vector.broadcast %while3A_169 : f32 to vector<16xf32>
        %ge3A_201 = arith.cmpf oge, %get3A_199, %ge3A_200 : vector<16xf32>
        %all_reduce_ffs3A_202 = tpu.all_reduce %ge3A_201 {dim = 0 : i64, kind = #tpu.reduction_kind<find_first_set>} : vector<16xi1> -> vector<16xi32>
        %slice3A_203 = vector.extract_strided_slice %all_reduce_ffs3A_202 {offsets = [0], sizes = [1], strides = [1]} : vector<16xi32> to vector<1xi32>
        %squeeze3A_204 = vector.extract %slice3A_203[0] : i32 from vector<1xi32>
        %mul3A_205 = arith.constant 16 : i32
        %mul3A_206 = arith.muli %add3A_195, %mul3A_205 : i32
        %add3A_207 = arith.addi %mul3A_206, %squeeze3A_204 : i32
        %eq3A = vector.broadcast %squeeze3A_204 : i32 to vector<16xi32>
        %eq3A_208 = arith.cmpi eq, %iota3A, %eq3A : vector<16xi32>
        %jit3A = arith.constant -1.000000e+00 : f32
        %broadcast_in_dim3A_209 = vector.broadcast %jit3A : f32 to vector<16xf32>
        %select_n3A_210 = arith.select %eq3A_208, %broadcast_in_dim3A_209, %get3A_199 : vector<16xi1>, vector<16xf32>
        %mul3A_211 = arith.constant 16 : i32
        %mul3A_212 = arith.muli %add3A_195, %mul3A_211 : i32
        %swap3A_213 = arith.index_cast %mul3A_212 : i32 to index
        %swap3A_214 = tpu.vector_load %arg7[%swap3A_213] {strides = array<i32>} : memref<5120xf32, #tpu.memory_space<vmem>>, vector<16xf32>,
        tpu.vector_store %arg7[%swap3A_213], %select_n3A_210 {strides = array<i32>} : memref<5120xf32, #tpu.memory_space<vmem>>, vector<16xf32>,
        %reduce_max3A_215 = arith.constant true
        %reduce_max3A_216 = vector.broadcast %reduce_max3A_215 : i1 to vector<16xi1>
        %reduce_max3A_217 = tpu.scan <max>, %select_n3A_210 masked %reduce_max3A_216 : vector<16xf32>, vector<16xi1> -> vector<16xf32>
        %reduce_max3A_218 = vector.extract %reduce_max3A_217[15] : f32 from vector<16xf32>
        %eq3A_219 = vector.broadcast %squeeze3A_192 : i32 to vector<16xi32>
        %eq3A_220 = arith.cmpi eq, %iota3A, %eq3A_219 : vector<16xi32>
        %broadcast_in_dim3A_221 = vector.broadcast %reduce_max3A_218 : f32 to vector<16xf32>
        %select_n3A_222 = arith.select %eq3A_220, %broadcast_in_dim3A_221, %get3A_187 : vector<16xi1>, vector<16xf32>
        %mul3A_223 = arith.constant 16 : i32
        %mul3A_224 = arith.muli %select_n3A, %mul3A_223 : i32
        %swap3A_225 = arith.index_cast %mul3A_224 : i32 to index
        %swap3A_226 = tpu.vector_load %arg9[%swap3A_225] {strides = array<i32>} : memref<336xf32, #tpu.memory_space<vmem>>, vector<16xf32>,
        tpu.vector_store %arg9[%swap3A_225], %select_n3A_222 {strides = array<i32>} : memref<336xf32, #tpu.memory_space<vmem>>, vector<16xf32>,
        %reduce_max3A_227 = arith.constant true
        %reduce_max3A_228 = vector.broadcast %reduce_max3A_227 : i1 to vector<16xi1>
        %reduce_max3A_229 = tpu.scan <max>, %select_n3A_222 masked %reduce_max3A_228 : vector<16xf32>, vector<16xi1> -> vector<16xf32>
        %reduce_max3A_230 = vector.extract %reduce_max3A_229[15] : f32 from vector<16xf32>
        %broadcast_in_dim3A_231 = vector.broadcast %select_n3A : i32 to vector<16xi32>
        %broadcast_in_dim3A_232 = vector.broadcast %reduce_max3A_230 : f32 to vector<16xf32>
        %eq3A_233 = arith.constant 0 : i32
        %eq3A_234 = vector.broadcast %eq3A_233 : i32 to vector<16xi32>
        %eq3A_235 = arith.cmpi eq, %iota3A, %eq3A_234 : vector<16xi32>
        tpu.vector_store_idx %arg10[%broadcast_in_dim3A_231], %broadcast_in_dim3A_232 masked %eq3A_235 : memref<32xf32, #tpu.memory_space<vmem>>[vector<16xi32>], vector<16xf32>, vector<16xi1>
        %eq3A_236 = vector.broadcast %select_n3A : i32 to vector<16xi32>
        %eq3A_237 = arith.cmpi eq, %iota3A, %eq3A_236 : vector<16xi32>
        %broadcast_in_dim3A_238 = vector.broadcast %reduce_max3A_230 : f32 to vector<16xf32>
        %select_n3A_239 = arith.select %eq3A_237, %broadcast_in_dim3A_238, %get3A_171 : vector<16xi1>, vector<16xf32>
        %add3A_240 = arith.constant 16 : i32
        %add3A_241 = vector.broadcast %add3A_240 : i32 to vector<16xi32>
        %add3A_242 = arith.addi %iota3A, %add3A_241 : vector<16xi32>
        %eq3A_243 = vector.broadcast %select_n3A : i32 to vector<16xi32>
        %eq3A_244 = arith.cmpi eq, %add3A_242, %eq3A_243 : vector<16xi32>
        %broadcast_in_dim3A_245 = vector.broadcast %reduce_max3A_230 : f32 to vector<16xf32>
        %select_n3A_246 = arith.select %eq3A_244, %broadcast_in_dim3A_245, %get3A_173 : vector<16xi1>, vector<16xf32>
        %max3A_247 = arith.maximumf %select_n3A_239, %select_n3A_246 : vector<16xf32>
        %reduce_max3A_248 = arith.constant true
        %reduce_max3A_249 = vector.broadcast %reduce_max3A_248 : i1 to vector<16xi1>
        %reduce_max3A_250 = tpu.scan <max>, %max3A_247 masked %reduce_max3A_249 : vector<16xf32>, vector<16xi1> -> vector<16xf32>
        %reduce_max3A_251 = vector.extract %reduce_max3A_250[15] : f32 from vector<16xf32>
        %broadcast_in_dim3A_252 = vector.broadcast %add3A_207 : i32 to vector<16xi32>
        %broadcast_in_dim3A_253 = arith.constant 0 : i32
        %broadcast_in_dim3A_254 = vector.broadcast %broadcast_in_dim3A_253 : i32 to vector<16xi32>
        %gather3A = tpu.vector_load_idx %arg8[%broadcast_in_dim3A_254, %broadcast_in_dim3A_252] : memref<4x5120xf32, #tpu.memory_space<vmem>>[vector<16xi32>, vector<16xi32>], vector<16xf32>,
        %broadcast_in_dim3A_255 = arith.constant 1 : i32
        %broadcast_in_dim3A_256 = vector.broadcast %broadcast_in_dim3A_255 : i32 to vector<16xi32>
        %gather3A_257 = tpu.vector_load_idx %arg8[%broadcast_in_dim3A_256, %broadcast_in_dim3A_252] : memref<4x5120xf32, #tpu.memory_space<vmem>>[vector<16xi32>, vector<16xi32>], vector<16xf32>,
        %broadcast_in_dim3A_258 = arith.constant 2 : i32
        %broadcast_in_dim3A_259 = vector.broadcast %broadcast_in_dim3A_258 : i32 to vector<16xi32>
        %gather3A_260 = tpu.vector_load_idx %arg8[%broadcast_in_dim3A_259, %broadcast_in_dim3A_252] : memref<4x5120xf32, #tpu.memory_space<vmem>>[vector<16xi32>, vector<16xi32>], vector<16xf32>,
        %broadcast_in_dim3A_261 = arith.constant 3 : i32
        %broadcast_in_dim3A_262 = vector.broadcast %broadcast_in_dim3A_261 : i32 to vector<16xi32>
        %gather3A_263 = tpu.vector_load_idx %arg8[%broadcast_in_dim3A_262, %broadcast_in_dim3A_252] : memref<4x5120xf32, #tpu.memory_space<vmem>>[vector<16xi32>, vector<16xi32>], vector<16xf32>,
        %sub3A = arith.subf %gather3A_260, %gather3A : vector<16xf32>
        %max3A_264 = arith.constant 0.000000e+00 : f32
        %max3A_265 = vector.broadcast %max3A_264 : f32 to vector<16xf32>
        %max3A_266 = arith.maximumf %sub3A, %max3A_265 : vector<16xf32>
        %sub3A_267 = arith.subf %gather3A_263, %gather3A_257 : vector<16xf32>
        %max3A_268 = arith.constant 0.000000e+00 : f32
        %max3A_269 = vector.broadcast %max3A_268 : f32 to vector<16xf32>
        %max3A_270 = arith.maximumf %sub3A_267, %max3A_269 : vector<16xf32>
        %mul3A_271 = arith.mulf %max3A_266, %max3A_270 : vector<16xf32>
        %add3A_272 = arith.constant 15 : i32
        %add3A_273 = arith.addi %while3A_168, %add3A_272 : i32
        %jit3A_274 = arith.constant 16 : i32
        %div3A = arith.divsi %add3A_273, %jit3A_274 : i32
        %sign3A = arith.constant 0 : i32
        %sign3A_275 = arith.cmpi sgt, %add3A_273, %sign3A : i32
        %sign3A_276 = arith.extui %sign3A_275 : i1 to i32
        %sign3A_277 = arith.constant 0 : i32
        %sign3A_278 = arith.cmpi slt, %add3A_273, %sign3A_277 : i32
        %sign3A_279 = arith.extui %sign3A_278 : i1 to i32
        %sign3A_280 = arith.subi %sign3A_276, %sign3A_279 : i32
        %sign3A_281 = arith.constant 0 : i32
        %sign3A_282 = arith.cmpi sgt, %jit3A_274, %sign3A_281 : i32
        %sign3A_283 = arith.extui %sign3A_282 : i1 to i32
        %sign3A_284 = arith.constant 0 : i32
        %sign3A_285 = arith.cmpi slt, %jit3A_274, %sign3A_284 : i32
        %sign3A_286 = arith.extui %sign3A_285 : i1 to i32
        %sign3A_287 = arith.subi %sign3A_283, %sign3A_286 : i32
        %ne3A = arith.cmpi ne, %sign3A_280, %sign3A_287 : i32
        %rem3A = arith.remsi %add3A_273, %jit3A_274 : i32
        %ne3A_288 = arith.constant 0 : i32
        %ne3A_289 = arith.cmpi ne, %rem3A, %ne3A_288 : i32
        %and3A = arith.andi %ne3A, %ne3A_289 : i1
        %sub3A_290 = arith.constant 1 : i32
        %sub3A_291 = arith.subi %div3A, %sub3A_290 : i32
        %select_n3A_292 = arith.select %and3A, %sub3A_291, %div3A : i32
        %mul3A_293 = arith.constant 16 : i32
        %mul3A_294 = arith.muli %select_n3A_292, %mul3A_293 : i32
        %parallel_loop3A_295 = arith.constant 0 : i32
        %parallel_loop3A_296 = arith.constant 16 : i32
        %parallel_loop3A_297 = scf.for %parallel_loop3A_309 = %parallel_loop3A_295 to %mul3A_294 step %parallel_loop3A_296 iter_args(%parallel_loop3A_310 = %broadcast_in_dim3A_66) -> (vector<16xf32>)  : i32 {
          %parallel_loop3A_311 = arith.constant 0 : i32
          %parallel_loop3A_312 = arith.index_cast %parallel_loop3A_311 : i32 to index
          %parallel_loop3A_313 = arith.index_cast %parallel_loop3A_309 : i32 to index
          %parallel_loop3A_314 = tpu.vector_load %arg11[%parallel_loop3A_312, %parallel_loop3A_313] {strides = array<i32>} : memref<5x128xf32, #tpu.memory_space<vmem>>, vector<16xf32>,
          %parallel_loop3A_315 = arith.constant 1 : i32
          %parallel_loop3A_316 = arith.index_cast %parallel_loop3A_315 : i32 to index
          %parallel_loop3A_317 = arith.index_cast %parallel_loop3A_309 : i32 to index
          %parallel_loop3A_318 = tpu.vector_load %arg11[%parallel_loop3A_316, %parallel_loop3A_317] {strides = array<i32>} : memref<5x128xf32, #tpu.memory_space<vmem>>, vector<16xf32>,
          %parallel_loop3A_319 = arith.constant 2 : i32
          %parallel_loop3A_320 = arith.index_cast %parallel_loop3A_319 : i32 to index
          %parallel_loop3A_321 = arith.index_cast %parallel_loop3A_309 : i32 to index
          %parallel_loop3A_322 = tpu.vector_load %arg11[%parallel_loop3A_320, %parallel_loop3A_321] {strides = array<i32>} : memref<5x128xf32, #tpu.memory_space<vmem>>, vector<16xf32>,
          %parallel_loop3A_323 = arith.constant 3 : i32
          %parallel_loop3A_324 = arith.index_cast %parallel_loop3A_323 : i32 to index
          %parallel_loop3A_325 = arith.index_cast %parallel_loop3A_309 : i32 to index
          %parallel_loop3A_326 = tpu.vector_load %arg11[%parallel_loop3A_324, %parallel_loop3A_325] {strides = array<i32>} : memref<5x128xf32, #tpu.memory_space<vmem>>, vector<16xf32>,
          %parallel_loop3A_327 = arith.constant 4 : i32
          %parallel_loop3A_328 = arith.index_cast %parallel_loop3A_327 : i32 to index
          %parallel_loop3A_329 = arith.index_cast %parallel_loop3A_309 : i32 to index
          %parallel_loop3A_330 = tpu.vector_load %arg11[%parallel_loop3A_328, %parallel_loop3A_329] {strides = array<i32>} : memref<5x128xf32, #tpu.memory_space<vmem>>, vector<16xf32>,
          %parallel_loop3A_331 = arith.maximumf %parallel_loop3A_314, %gather3A : vector<16xf32>
          %parallel_loop3A_332 = arith.maximumf %parallel_loop3A_318, %gather3A_257 : vector<16xf32>
          %parallel_loop3A_333 = arith.minimumf %parallel_loop3A_322, %gather3A_260 : vector<16xf32>
          %parallel_loop3A_334 = arith.minimumf %parallel_loop3A_326, %gather3A_263 : vector<16xf32>
          %parallel_loop3A_335 = arith.subf %parallel_loop3A_333, %parallel_loop3A_331 : vector<16xf32>
          %parallel_loop3A_336 = arith.constant 0.000000e+00 : f32
          %parallel_loop3A_337 = vector.broadcast %parallel_loop3A_336 : f32 to vector<16xf32>
          %parallel_loop3A_338 = arith.maximumf %parallel_loop3A_335, %parallel_loop3A_337 : vector<16xf32>
          %parallel_loop3A_339 = arith.subf %parallel_loop3A_334, %parallel_loop3A_332 : vector<16xf32>
          %parallel_loop3A_340 = arith.constant 0.000000e+00 : f32
          %parallel_loop3A_341 = vector.broadcast %parallel_loop3A_340 : f32 to vector<16xf32>
          %parallel_loop3A_342 = arith.maximumf %parallel_loop3A_339, %parallel_loop3A_341 : vector<16xf32>
          %parallel_loop3A_343 = arith.mulf %parallel_loop3A_338, %parallel_loop3A_342 : vector<16xf32>
          %parallel_loop3A_344 = arith.addf %parallel_loop3A_330, %mul3A_271 : vector<16xf32>
          %parallel_loop3A_345 = arith.subf %parallel_loop3A_344, %parallel_loop3A_343 : vector<16xf32>
          %parallel_loop3A_346 = arith.constant 9.99999971E-10 : f32
          %parallel_loop3A_347 = vector.broadcast %parallel_loop3A_346 : f32 to vector<16xf32>
          %parallel_loop3A_348 = arith.addf %parallel_loop3A_345, %parallel_loop3A_347 : vector<16xf32>
          %parallel_loop3A_349 = arith.divf %parallel_loop3A_343, %parallel_loop3A_348 : vector<16xf32>
          %parallel_loop3A_350 = arith.maximumf %parallel_loop3A_310, %parallel_loop3A_349 : vector<16xf32>
          scf.yield %parallel_loop3A_350 : vector<16xf32>
        } {sc.loop_unroll_factor = 2 : i64, sc.parallel_access}
        %reduce_max3A_298 = arith.constant true
        %reduce_max3A_299 = vector.broadcast %reduce_max3A_298 : i1 to vector<16xi1>
        %reduce_max3A_300 = tpu.scan <max>, %parallel_loop3A_297 masked %reduce_max3A_299 : vector<16xf32>, vector<16xi1> -> vector<16xf32>
        %reduce_max3A_301 = vector.extract %reduce_max3A_300[15] : f32 from vector<16xf32>
        %le3A = arith.constant 3.000000e-01 : f32
        %le3A_302 = arith.cmpf ole, %reduce_max3A_301, %le3A : f32
        %convert_element_type3A_303 = arith.extui %le3A_302 : i1 to i32
        %cond3A_304 = arith.constant 0 : i32
        %cond3A_305 = arith.cmpi ne, %convert_element_type3A_303, %cond3A_304 : i32
        scf.if %cond3A_305 {
          %broadcast_in_dim3A_309 = vector.broadcast %while3A_168 : i32 to vector<16xi32>
          %eq3A_310 = arith.constant 0 : i32
          %eq3A_311 = vector.broadcast %eq3A_310 : i32 to vector<16xi32>
          %eq3A_312 = arith.cmpi eq, %iota3A, %eq3A_311 : vector<16xi32>
          %broadcast_in_dim3A_313 = arith.constant 0 : i32
          %broadcast_in_dim3A_314 = vector.broadcast %broadcast_in_dim3A_313 : i32 to vector<16xi32>
          tpu.vector_store_idx %arg11[%broadcast_in_dim3A_314, %broadcast_in_dim3A_309], %gather3A masked %eq3A_312 : memref<5x128xf32, #tpu.memory_space<vmem>>[vector<16xi32>, vector<16xi32>], vector<16xf32>, vector<16xi1>
          %add3A_315 = arith.constant 1 : i32
          %add3A_316 = vector.broadcast %add3A_315 : i32 to vector<16xi32>
          %add3A_317 = arith.addi %broadcast_in_dim3A_314, %add3A_316 : vector<16xi32>
          tpu.vector_store_idx %arg11[%add3A_317, %broadcast_in_dim3A_309], %gather3A_257 masked %eq3A_312 : memref<5x128xf32, #tpu.memory_space<vmem>>[vector<16xi32>, vector<16xi32>], vector<16xf32>, vector<16xi1>
          %add3A_318 = arith.constant 2 : i32
          %add3A_319 = vector.broadcast %add3A_318 : i32 to vector<16xi32>
          %add3A_320 = arith.addi %broadcast_in_dim3A_314, %add3A_319 : vector<16xi32>
          tpu.vector_store_idx %arg11[%add3A_320, %broadcast_in_dim3A_309], %gather3A_260 masked %eq3A_312 : memref<5x128xf32, #tpu.memory_space<vmem>>[vector<16xi32>, vector<16xi32>], vector<16xf32>, vector<16xi1>
          %add3A_321 = arith.constant 3 : i32
          %add3A_322 = vector.broadcast %add3A_321 : i32 to vector<16xi32>
          %add3A_323 = arith.addi %broadcast_in_dim3A_314, %add3A_322 : vector<16xi32>
          tpu.vector_store_idx %arg11[%add3A_323, %broadcast_in_dim3A_309], %gather3A_263 masked %eq3A_312 : memref<5x128xf32, #tpu.memory_space<vmem>>[vector<16xi32>, vector<16xi32>], vector<16xf32>, vector<16xi1>
          %add3A_324 = arith.constant 4 : i32
          %add3A_325 = vector.broadcast %add3A_324 : i32 to vector<16xi32>
          %add3A_326 = arith.addi %broadcast_in_dim3A_314, %add3A_325 : vector<16xi32>
          tpu.vector_store_idx %arg11[%add3A_326, %broadcast_in_dim3A_309], %mul3A_271 masked %eq3A_312 : memref<5x128xf32, #tpu.memory_space<vmem>>[vector<16xi32>, vector<16xi32>], vector<16xf32>, vector<16xi1>
          %eq3A_327 = arith.constant 0 : i32
          %eq3A_328 = vector.broadcast %eq3A_327 : i32 to vector<16xi32>
          %eq3A_329 = arith.cmpi eq, %iota3A, %eq3A_328 : vector<16xi32>
          %eq3A_330 = arith.constant 1 : i32
          %eq3A_331 = vector.broadcast %eq3A_330 : i32 to vector<16xi32>
          %eq3A_332 = arith.cmpi eq, %iota3A, %eq3A_331 : vector<16xi32>
          %eq3A_333 = arith.constant 2 : i32
          %eq3A_334 = vector.broadcast %eq3A_333 : i32 to vector<16xi32>
          %eq3A_335 = arith.cmpi eq, %iota3A, %eq3A_334 : vector<16xi32>
          %select_n3A_336 = arith.select %eq3A_335, %gather3A_260, %gather3A_263 : vector<16xi1>, vector<16xf32>
          %select_n3A_337 = arith.select %eq3A_332, %gather3A_257, %select_n3A_336 : vector<16xi1>, vector<16xf32>
          %select_n3A_338 = arith.select %eq3A_329, %gather3A, %select_n3A_337 : vector<16xi1>, vector<16xf32>
          %mul3A_339 = arith.constant 4 : i32
          %mul3A_340 = arith.muli %while3A_168, %mul3A_339 : i32
          %add3A_341 = vector.broadcast %mul3A_340 : i32 to vector<16xi32>
          %add3A_342 = arith.addi %add3A_341, %iota3A : vector<16xi32>
          %lt3A_343 = arith.constant 4 : i32
          %lt3A_344 = vector.broadcast %lt3A_343 : i32 to vector<16xi32>
          %lt3A_345 = arith.cmpi slt, %iota3A, %lt3A_344 : vector<16xi32>
          tpu.vector_store_idx %arg12[%add3A_342], %select_n3A_338 masked %lt3A_345 : memref<512xf32, #tpu.memory_space<vmem>>[vector<16xi32>], vector<16xf32>, vector<16xi1>
          %broadcast_in_dim3A_346 = vector.broadcast %while3A_169 : f32 to vector<16xf32>
          tpu.vector_store_idx %arg13[%broadcast_in_dim3A_309], %broadcast_in_dim3A_346 masked %eq3A_312 : memref<128xf32, #tpu.memory_space<vmem>>[vector<16xi32>], vector<16xf32>, vector<16xi1>
        } else {
        }
        %add3A_306 = arith.constant 1 : i32
        %add3A_307 = arith.addi %while3A_168, %add3A_306 : i32
        %select_n3A_308 = arith.select %le3A_302, %add3A_307, %while3A_168 : i32
        scf.yield %select_n3A_308, %reduce_max3A_251 : i32, f32
      }
      %scan3A_161 = arith.constant 0 : i32
      %scan3A_162 = arith.constant 0 : i32
      %scan3A_163 = arith.constant 8 : i32
      %scan3A_164 = arith.addi %scan3A_162, %scan3A_163 : i32
      %scan3A_165 = arith.constant 1 : i32
      %scan3A_166 = scf.for %scan3A_168 = %scan3A_162 to %scan3A_164 step %scan3A_165 iter_args(%scan3A_169 = %scan3A_161) -> (i32)  : i32 {
        %mul3A_170 = arith.constant 16 : i32
        %mul3A_171 = arith.muli %scan3A_168, %mul3A_170 : i32
        %add3A_172 = vector.broadcast %mul3A_171 : i32 to vector<16xi32>
        %add3A_173 = arith.addi %add3A_172, %iota3A : vector<16xi32>
        %lt3A_174 = vector.broadcast %while3A_160#0 : i32 to vector<16xi32>
        %lt3A_175 = arith.cmpi slt, %add3A_173, %lt3A_174 : vector<16xi32>
        %jit3A = arith.constant -1 : i32
        %broadcast_in_dim3A_176 = vector.broadcast %add3A : i32 to vector<16xi32>
        %broadcast_in_dim3A_177 = vector.broadcast %jit3A : i32 to vector<16xi32>
        %select_n3A = arith.select %lt3A_175, %broadcast_in_dim3A_176, %broadcast_in_dim3A_177 : vector<16xi1>, vector<16xi32>
        %swap3A_178 = arith.index_cast %mul3A_171 : i32 to index
        %swap3A_179 = tpu.vector_load %arg14[%swap3A_178] {strides = array<i32>} : memref<128xi32, #tpu.memory_space<vmem>>, vector<16xi32>,
        tpu.vector_store %arg14[%swap3A_178], %select_n3A {strides = array<i32>} : memref<128xi32, #tpu.memory_space<vmem>>, vector<16xi32>,
        %scan3A_180 = arith.constant 0 : i32
        scf.yield %scan3A_180 : i32
      }
      %scan3A_167 = arith.constant 8 : i32
      "tpu.region"() ({
        %run_scoped3A = tpu.sem_alloc : memref<!tpu.dma_semaphore, #tpu.memory_space<semaphore_mem>>
        %dma_start3A_168 = arith.constant 0 : i32
        %dma_start3A_169 = tpu.memref_slice %arg4[%add3A, %dma_start3A_168] : memref<20x512xf32, #tpu.memory_space<hbm>> -> memref<1x512xf32, #tpu.memory_space<hbm>>
        %dma_start3A_170 = tpu.memref_squeeze %dma_start3A_169 : memref<1x512xf32, #tpu.memory_space<hbm>> -> memref<512xf32, #tpu.memory_space<hbm>>
        %dma_start3A_171 = arith.constant 0 : i32
        %dma_start3A_172 = tpu.memref_slice %arg4[%add3A, %dma_start3A_171] : memref<20x512xf32, #tpu.memory_space<hbm>> -> memref<1x512xf32, #tpu.memory_space<hbm>>
        %dma_start3A_173 = tpu.memref_squeeze %dma_start3A_172 : memref<1x512xf32, #tpu.memory_space<hbm>> -> memref<512xf32, #tpu.memory_space<hbm>>
        tpu.enqueue_dma source(%arg12 : memref<512xf32, #tpu.memory_space<vmem>>) target(%dma_start3A_173 : memref<512xf32, #tpu.memory_space<hbm>>) target_semaphore(%run_scoped3A : memref<!tpu.dma_semaphore, #tpu.memory_space<semaphore_mem>>)
        %dma_wait3A_174 = arith.constant 0 : i32
        %dma_wait3A_175 = tpu.memref_slice %arg4[%add3A, %dma_wait3A_174] : memref<20x512xf32, #tpu.memory_space<hbm>> -> memref<1x512xf32, #tpu.memory_space<hbm>>
        %dma_wait3A_176 = tpu.memref_squeeze %dma_wait3A_175 : memref<1x512xf32, #tpu.memory_space<hbm>> -> memref<512xf32, #tpu.memory_space<hbm>>
        %dma_wait3A_177 = arith.constant 0 : i32
        %dma_wait3A_178 = tpu.memref_slice %arg4[%add3A, %dma_wait3A_177] : memref<20x512xf32, #tpu.memory_space<hbm>> -> memref<1x512xf32, #tpu.memory_space<hbm>>
        %dma_wait3A_179 = tpu.memref_squeeze %dma_wait3A_178 : memref<1x512xf32, #tpu.memory_space<hbm>> -> memref<512xf32, #tpu.memory_space<hbm>>
        tpu.wait_dma2 semaphore(%run_scoped3A : memref<!tpu.dma_semaphore, #tpu.memory_space<semaphore_mem>>) src(%arg12 : memref<512xf32, #tpu.memory_space<vmem>>) dst(%dma_wait3A_179 : memref<512xf32, #tpu.memory_space<hbm>>)
        tpu.yield
      }) : () -> ()
      "tpu.region"() ({
        %run_scoped3A = tpu.sem_alloc : memref<!tpu.dma_semaphore, #tpu.memory_space<semaphore_mem>>
        %dma_start3A_168 = arith.constant 0 : i32
        %dma_start3A_169 = tpu.memref_slice %arg5[%add3A, %dma_start3A_168] : memref<20x128xf32, #tpu.memory_space<hbm>> -> memref<1x128xf32, #tpu.memory_space<hbm>>
        %dma_start3A_170 = tpu.memref_squeeze %dma_start3A_169 : memref<1x128xf32, #tpu.memory_space<hbm>> -> memref<128xf32, #tpu.memory_space<hbm>>
        %dma_start3A_171 = arith.constant 0 : i32
        %dma_start3A_172 = tpu.memref_slice %arg5[%add3A, %dma_start3A_171] : memref<20x128xf32, #tpu.memory_space<hbm>> -> memref<1x128xf32, #tpu.memory_space<hbm>>
        %dma_start3A_173 = tpu.memref_squeeze %dma_start3A_172 : memref<1x128xf32, #tpu.memory_space<hbm>> -> memref<128xf32, #tpu.memory_space<hbm>>
        tpu.enqueue_dma source(%arg13 : memref<128xf32, #tpu.memory_space<vmem>>) target(%dma_start3A_173 : memref<128xf32, #tpu.memory_space<hbm>>) target_semaphore(%run_scoped3A : memref<!tpu.dma_semaphore, #tpu.memory_space<semaphore_mem>>)
        %dma_wait3A_174 = arith.constant 0 : i32
        %dma_wait3A_175 = tpu.memref_slice %arg5[%add3A, %dma_wait3A_174] : memref<20x128xf32, #tpu.memory_space<hbm>> -> memref<1x128xf32, #tpu.memory_space<hbm>>
        %dma_wait3A_176 = tpu.memref_squeeze %dma_wait3A_175 : memref<1x128xf32, #tpu.memory_space<hbm>> -> memref<128xf32, #tpu.memory_space<hbm>>
        %dma_wait3A_177 = arith.constant 0 : i32
        %dma_wait3A_178 = tpu.memref_slice %arg5[%add3A, %dma_wait3A_177] : memref<20x128xf32, #tpu.memory_space<hbm>> -> memref<1x128xf32, #tpu.memory_space<hbm>>
        %dma_wait3A_179 = tpu.memref_squeeze %dma_wait3A_178 : memref<1x128xf32, #tpu.memory_space<hbm>> -> memref<128xf32, #tpu.memory_space<hbm>>
        tpu.wait_dma2 semaphore(%run_scoped3A : memref<!tpu.dma_semaphore, #tpu.memory_space<semaphore_mem>>) src(%arg13 : memref<128xf32, #tpu.memory_space<vmem>>) dst(%dma_wait3A_179 : memref<128xf32, #tpu.memory_space<hbm>>)
        tpu.yield
      }) : () -> ()
      "tpu.region"() ({
        %run_scoped3A = tpu.sem_alloc : memref<!tpu.dma_semaphore, #tpu.memory_space<semaphore_mem>>
        %dma_start3A_168 = arith.constant 0 : i32
        %dma_start3A_169 = tpu.memref_slice %arg6[%add3A, %dma_start3A_168] : memref<20x128xi32, #tpu.memory_space<hbm>> -> memref<1x128xi32, #tpu.memory_space<hbm>>
        %dma_start3A_170 = tpu.memref_squeeze %dma_start3A_169 : memref<1x128xi32, #tpu.memory_space<hbm>> -> memref<128xi32, #tpu.memory_space<hbm>>
        %dma_start3A_171 = arith.constant 0 : i32
        %dma_start3A_172 = tpu.memref_slice %arg6[%add3A, %dma_start3A_171] : memref<20x128xi32, #tpu.memory_space<hbm>> -> memref<1x128xi32, #tpu.memory_space<hbm>>
        %dma_start3A_173 = tpu.memref_squeeze %dma_start3A_172 : memref<1x128xi32, #tpu.memory_space<hbm>> -> memref<128xi32, #tpu.memory_space<hbm>>
        tpu.enqueue_dma source(%arg14 : memref<128xi32, #tpu.memory_space<vmem>>) target(%dma_start3A_173 : memref<128xi32, #tpu.memory_space<hbm>>) target_semaphore(%run_scoped3A : memref<!tpu.dma_semaphore, #tpu.memory_space<semaphore_mem>>)
        %dma_wait3A_174 = arith.constant 0 : i32
        %dma_wait3A_175 = tpu.memref_slice %arg6[%add3A, %dma_wait3A_174] : memref<20x128xi32, #tpu.memory_space<hbm>> -> memref<1x128xi32, #tpu.memory_space<hbm>>
        %dma_wait3A_176 = tpu.memref_squeeze %dma_wait3A_175 : memref<1x128xi32, #tpu.memory_space<hbm>> -> memref<128xi32, #tpu.memory_space<hbm>>
        %dma_wait3A_177 = arith.constant 0 : i32
        %dma_wait3A_178 = tpu.memref_slice %arg6[%add3A, %dma_wait3A_177] : memref<20x128xi32, #tpu.memory_space<hbm>> -> memref<1x128xi32, #tpu.memory_space<hbm>>
        %dma_wait3A_179 = tpu.memref_squeeze %dma_wait3A_178 : memref<1x128xi32, #tpu.memory_space<hbm>> -> memref<128xi32, #tpu.memory_space<hbm>>
        tpu.wait_dma2 semaphore(%run_scoped3A : memref<!tpu.dma_semaphore, #tpu.memory_space<semaphore_mem>>) src(%arg14 : memref<128xi32, #tpu.memory_space<vmem>>) dst(%dma_wait3A_179 : memref<128xi32, #tpu.memory_space<hbm>>)
        tpu.yield
      }) : () -> ()
    } else {
    }
    return
  }
}

module attributes {stable_mosaic.version = 14 : i64} {
  func.func @_prep_body(%arg0: memref<21x5120xf32, #tpu.memory_space<vmem>>, %arg1: memref<4x21x5120xf32, #tpu.memory_space<vmem>>, %arg2: memref<4x5120xf32, #tpu.memory_space<vmem>>, %arg3: memref<21x5120xf32, #tpu.memory_space<vmem>>, %arg4: memref<4x21x5120xf32, #tpu.memory_space<vmem>>) attributes {dimension_semantics = [], scalar_prefetch = 0 : i64, scratch_operands = 0 : i64, tpu.core_type = #tpu.core_type<tc>} {
    %get3A = arith.constant 0 : index
    %get3A_0 = arith.constant 0 : index
    %get3A_1 = vector.load %arg0[%get3A, %get3A_0] : memref<21x5120xf32, #tpu.memory_space<vmem>>, vector<21x5120xf32>
    %reduce_max3A = arith.constant dense<0xFF800000> : vector<5120xf32>
    %reduce_max3A_2 = vector.multi_reduction <maximumf>, %get3A_1, %reduce_max3A [0] : vector<21x5120xf32> to vector<5120xf32>
    %broadcast_in_dim3A = vector.shape_cast %reduce_max3A_2 : vector<5120xf32> to vector<1x5120xf32>
    %sub3A = vector.broadcast %broadcast_in_dim3A : vector<1x5120xf32> to vector<21x5120xf32>
    %sub3A_3 = arith.subf %get3A_1, %sub3A : vector<21x5120xf32>
    %exp3A = math.exp %sub3A_3 : vector<21x5120xf32>
    %reduce_sum3A = arith.constant dense<0.000000e+00> : vector<5120xf32>
    %reduce_sum3A_4 = vector.multi_reduction <add>, %exp3A, %reduce_sum3A [0] : vector<21x5120xf32> to vector<5120xf32>
    %broadcast_in_dim3A_5 = vector.shape_cast %reduce_sum3A_4 : vector<5120xf32> to vector<1x5120xf32>
    %iota3A = tpu.iota {dimensions = array<i32: 1>} : vector<1x5120xi32>
    %lt3A = arith.constant 5000 : i32
    %lt3A_6 = vector.broadcast %lt3A : i32 to vector<1x5120xi32>
    %lt3A_7 = arith.cmpi slt, %iota3A, %lt3A_6 : vector<1x5120xi32>
    %div3A = vector.broadcast %broadcast_in_dim3A_5 : vector<1x5120xf32> to vector<21x5120xf32>
    %div3A_8 = arith.divf %exp3A, %div3A : vector<21x5120xf32>
    %jit3A = arith.constant 0.000000e+00 : f32
    %broadcast_in_dim3A_9 = vector.shape_cast %lt3A_7 : vector<1x5120xi1> to vector<1x5120xi1>
    %broadcast_in_dim3A_10 = vector.broadcast %broadcast_in_dim3A_9 : vector<1x5120xi1> to vector<21x5120xi1>
    %broadcast_in_dim3A_11 = vector.broadcast %jit3A : f32 to vector<21x5120xf32>
    %select_n3A = arith.select %broadcast_in_dim3A_10, %div3A_8, %broadcast_in_dim3A_11 : vector<21x5120xi1>, vector<21x5120xf32>
    %swap3A = arith.constant 0 : index
    %swap3A_12 = arith.constant 0 : index
    %swap3A_13 = vector.load %arg3[%swap3A, %swap3A_12] : memref<21x5120xf32, #tpu.memory_space<vmem>>, vector<21x5120xf32>
    tpu.vector_store %arg3[%swap3A, %swap3A_12], %select_n3A {strides = array<i32>} : memref<21x5120xf32, #tpu.memory_space<vmem>>, vector<21x5120xf32>,
    %get3A_14 = arith.constant 2 : index
    %get3A_15 = arith.constant 0 : index
    %get3A_16 = vector.load %arg2[%get3A_14, %get3A_15] : memref<4x5120xf32, #tpu.memory_space<vmem>>, vector<1x5120xf32>
    %get3A_17 = arith.constant 0 : index
    %get3A_18 = arith.constant 0 : index
    %get3A_19 = vector.load %arg2[%get3A_17, %get3A_18] : memref<4x5120xf32, #tpu.memory_space<vmem>>, vector<1x5120xf32>
    %sub3A_20 = arith.subf %get3A_16, %get3A_19 : vector<1x5120xf32>
    %get3A_21 = arith.constant 3 : index
    %get3A_22 = arith.constant 0 : index
    %get3A_23 = vector.load %arg2[%get3A_21, %get3A_22] : memref<4x5120xf32, #tpu.memory_space<vmem>>, vector<1x5120xf32>
    %get3A_24 = arith.constant 1 : index
    %get3A_25 = arith.constant 0 : index
    %get3A_26 = vector.load %arg2[%get3A_24, %get3A_25] : memref<4x5120xf32, #tpu.memory_space<vmem>>, vector<1x5120xf32>
    %sub3A_27 = arith.subf %get3A_23, %get3A_26 : vector<1x5120xf32>
    %get3A_28 = arith.constant 0 : index
    %get3A_29 = arith.constant 0 : index
    %get3A_30 = vector.load %arg2[%get3A_28, %get3A_29] : memref<4x5120xf32, #tpu.memory_space<vmem>>, vector<1x5120xf32>
    %mul3A = arith.constant 5.000000e-01 : f32
    %mul3A_31 = vector.broadcast %mul3A : f32 to vector<1x5120xf32>
    %mul3A_32 = arith.mulf %mul3A_31, %sub3A_20 : vector<1x5120xf32>
    %add3A = arith.addf %get3A_30, %mul3A_32 : vector<1x5120xf32>
    %get3A_33 = arith.constant 1 : index
    %get3A_34 = arith.constant 0 : index
    %get3A_35 = vector.load %arg2[%get3A_33, %get3A_34] : memref<4x5120xf32, #tpu.memory_space<vmem>>, vector<1x5120xf32>
    %mul3A_36 = arith.constant 5.000000e-01 : f32
    %mul3A_37 = vector.broadcast %mul3A_36 : f32 to vector<1x5120xf32>
    %mul3A_38 = arith.mulf %mul3A_37, %sub3A_27 : vector<1x5120xf32>
    %add3A_39 = arith.addf %get3A_35, %mul3A_38 : vector<1x5120xf32>
    %get3A_40 = arith.constant 0 : index
    %get3A_41 = arith.constant 0 : index
    %get3A_42 = arith.constant 0 : index
    %get3A_43 = vector.load %arg1[%get3A_40, %get3A_41, %get3A_42] : memref<4x21x5120xf32, #tpu.memory_space<vmem>>, vector<1x21x5120xf32>
    %get3A_44 = vector.shape_cast %get3A_43 : vector<1x21x5120xf32> to vector<21x5120xf32>
    %mul3A_45 = arith.constant 1.000000e-01 : f32
    %mul3A_46 = vector.broadcast %mul3A_45 : f32 to vector<21x5120xf32>
    %mul3A_47 = arith.mulf %get3A_44, %mul3A_46 : vector<21x5120xf32>
    %get3A_48 = arith.constant 1 : index
    %get3A_49 = arith.constant 0 : index
    %get3A_50 = arith.constant 0 : index
    %get3A_51 = vector.load %arg1[%get3A_48, %get3A_49, %get3A_50] : memref<4x21x5120xf32, #tpu.memory_space<vmem>>, vector<1x21x5120xf32>
    %get3A_52 = vector.shape_cast %get3A_51 : vector<1x21x5120xf32> to vector<21x5120xf32>
    %mul3A_53 = arith.constant 1.000000e-01 : f32
    %mul3A_54 = vector.broadcast %mul3A_53 : f32 to vector<21x5120xf32>
    %mul3A_55 = arith.mulf %get3A_52, %mul3A_54 : vector<21x5120xf32>
    %get3A_56 = arith.constant 2 : index
    %get3A_57 = arith.constant 0 : index
    %get3A_58 = arith.constant 0 : index
    %get3A_59 = vector.load %arg1[%get3A_56, %get3A_57, %get3A_58] : memref<4x21x5120xf32, #tpu.memory_space<vmem>>, vector<1x21x5120xf32>
    %get3A_60 = vector.shape_cast %get3A_59 : vector<1x21x5120xf32> to vector<21x5120xf32>
    %mul3A_61 = arith.constant 2.000000e-01 : f32
    %mul3A_62 = vector.broadcast %mul3A_61 : f32 to vector<21x5120xf32>
    %mul3A_63 = arith.mulf %get3A_60, %mul3A_62 : vector<21x5120xf32>
    %get3A_64 = arith.constant 3 : index
    %get3A_65 = arith.constant 0 : index
    %get3A_66 = arith.constant 0 : index
    %get3A_67 = vector.load %arg1[%get3A_64, %get3A_65, %get3A_66] : memref<4x21x5120xf32, #tpu.memory_space<vmem>>, vector<1x21x5120xf32>
    %get3A_68 = vector.shape_cast %get3A_67 : vector<1x21x5120xf32> to vector<21x5120xf32>
    %mul3A_69 = arith.constant 2.000000e-01 : f32
    %mul3A_70 = vector.broadcast %mul3A_69 : f32 to vector<21x5120xf32>
    %mul3A_71 = arith.mulf %get3A_68, %mul3A_70 : vector<21x5120xf32>
    %exp3A_72 = math.exp %mul3A_63 : vector<21x5120xf32>
    %mul3A_73 = vector.broadcast %sub3A_20 : vector<1x5120xf32> to vector<21x5120xf32>
    %mul3A_74 = arith.mulf %exp3A_72, %mul3A_73 : vector<21x5120xf32>
    %exp3A_75 = math.exp %mul3A_71 : vector<21x5120xf32>
    %mul3A_76 = vector.broadcast %sub3A_27 : vector<1x5120xf32> to vector<21x5120xf32>
    %mul3A_77 = arith.mulf %exp3A_75, %mul3A_76 : vector<21x5120xf32>
    %mul3A_78 = vector.broadcast %sub3A_20 : vector<1x5120xf32> to vector<21x5120xf32>
    %mul3A_79 = arith.mulf %mul3A_47, %mul3A_78 : vector<21x5120xf32>
    %add3A_80 = vector.broadcast %add3A : vector<1x5120xf32> to vector<21x5120xf32>
    %add3A_81 = arith.addf %mul3A_79, %add3A_80 : vector<21x5120xf32>
    %mul3A_82 = vector.broadcast %sub3A_27 : vector<1x5120xf32> to vector<21x5120xf32>
    %mul3A_83 = arith.mulf %mul3A_55, %mul3A_82 : vector<21x5120xf32>
    %add3A_84 = vector.broadcast %add3A_39 : vector<1x5120xf32> to vector<21x5120xf32>
    %add3A_85 = arith.addf %mul3A_83, %add3A_84 : vector<21x5120xf32>
    %mul3A_86 = arith.constant 5.000000e-01 : f32
    %mul3A_87 = vector.broadcast %mul3A_86 : f32 to vector<21x5120xf32>
    %mul3A_88 = arith.mulf %mul3A_87, %mul3A_74 : vector<21x5120xf32>
    %sub3A_89 = arith.subf %add3A_81, %mul3A_88 : vector<21x5120xf32>
    %jit3A_90 = arith.constant 0.000000e+00 : f32
    %jit3A_91 = arith.constant 6.000000e+02 : f32
    %max3A = vector.broadcast %jit3A_90 : f32 to vector<21x5120xf32>
    %max3A_92 = arith.maximumf %max3A, %sub3A_89 : vector<21x5120xf32>
    %min3A = vector.broadcast %jit3A_91 : f32 to vector<21x5120xf32>
    %min3A_93 = arith.minimumf %min3A, %max3A_92 : vector<21x5120xf32>
    %swap3A_94 = arith.constant 0 : index
    %swap3A_95 = arith.constant 0 : index
    %swap3A_96 = arith.constant 0 : index
    %swap3A_97 = vector.load %arg4[%swap3A_94, %swap3A_95, %swap3A_96] : memref<4x21x5120xf32, #tpu.memory_space<vmem>>, vector<1x21x5120xf32>
    %swap3A_98 = vector.shape_cast %swap3A_97 : vector<1x21x5120xf32> to vector<21x5120xf32>
    %swap3A_99 = vector.shape_cast %min3A_93 : vector<21x5120xf32> to vector<1x21x5120xf32>
    tpu.vector_store %arg4[%swap3A_94, %swap3A_95, %swap3A_96], %swap3A_99 {strides = array<i32>} : memref<4x21x5120xf32, #tpu.memory_space<vmem>>, vector<1x21x5120xf32>,
    %mul3A_100 = arith.constant 5.000000e-01 : f32
    %mul3A_101 = vector.broadcast %mul3A_100 : f32 to vector<21x5120xf32>
    %mul3A_102 = arith.mulf %mul3A_101, %mul3A_77 : vector<21x5120xf32>
    %sub3A_103 = arith.subf %add3A_85, %mul3A_102 : vector<21x5120xf32>
    %jit3A_104 = arith.constant 0.000000e+00 : f32
    %jit3A_105 = arith.constant 8.000000e+02 : f32
    %max3A_106 = vector.broadcast %jit3A_104 : f32 to vector<21x5120xf32>
    %max3A_107 = arith.maximumf %max3A_106, %sub3A_103 : vector<21x5120xf32>
    %min3A_108 = vector.broadcast %jit3A_105 : f32 to vector<21x5120xf32>
    %min3A_109 = arith.minimumf %min3A_108, %max3A_107 : vector<21x5120xf32>
    %swap3A_110 = arith.constant 1 : index
    %swap3A_111 = arith.constant 0 : index
    %swap3A_112 = arith.constant 0 : index
    %swap3A_113 = vector.load %arg4[%swap3A_110, %swap3A_111, %swap3A_112] : memref<4x21x5120xf32, #tpu.memory_space<vmem>>, vector<1x21x5120xf32>
    %swap3A_114 = vector.shape_cast %swap3A_113 : vector<1x21x5120xf32> to vector<21x5120xf32>
    %swap3A_115 = vector.shape_cast %min3A_109 : vector<21x5120xf32> to vector<1x21x5120xf32>
    tpu.vector_store %arg4[%swap3A_110, %swap3A_111, %swap3A_112], %swap3A_115 {strides = array<i32>} : memref<4x21x5120xf32, #tpu.memory_space<vmem>>, vector<1x21x5120xf32>,
    %mul3A_116 = arith.constant 5.000000e-01 : f32
    %mul3A_117 = vector.broadcast %mul3A_116 : f32 to vector<21x5120xf32>
    %mul3A_118 = arith.mulf %mul3A_117, %mul3A_74 : vector<21x5120xf32>
    %add3A_119 = arith.addf %add3A_81, %mul3A_118 : vector<21x5120xf32>
    %jit3A_120 = arith.constant 0.000000e+00 : f32
    %jit3A_121 = arith.constant 6.000000e+02 : f32
    %max3A_122 = vector.broadcast %jit3A_120 : f32 to vector<21x5120xf32>
    %max3A_123 = arith.maximumf %max3A_122, %add3A_119 : vector<21x5120xf32>
    %min3A_124 = vector.broadcast %jit3A_121 : f32 to vector<21x5120xf32>
    %min3A_125 = arith.minimumf %min3A_124, %max3A_123 : vector<21x5120xf32>
    %swap3A_126 = arith.constant 2 : index
    %swap3A_127 = arith.constant 0 : index
    %swap3A_128 = arith.constant 0 : index
    %swap3A_129 = vector.load %arg4[%swap3A_126, %swap3A_127, %swap3A_128] : memref<4x21x5120xf32, #tpu.memory_space<vmem>>, vector<1x21x5120xf32>
    %swap3A_130 = vector.shape_cast %swap3A_129 : vector<1x21x5120xf32> to vector<21x5120xf32>
    %swap3A_131 = vector.shape_cast %min3A_125 : vector<21x5120xf32> to vector<1x21x5120xf32>
    tpu.vector_store %arg4[%swap3A_126, %swap3A_127, %swap3A_128], %swap3A_131 {strides = array<i32>} : memref<4x21x5120xf32, #tpu.memory_space<vmem>>, vector<1x21x5120xf32>,
    %mul3A_132 = arith.constant 5.000000e-01 : f32
    %mul3A_133 = vector.broadcast %mul3A_132 : f32 to vector<21x5120xf32>
    %mul3A_134 = arith.mulf %mul3A_133, %mul3A_77 : vector<21x5120xf32>
    %add3A_135 = arith.addf %add3A_85, %mul3A_134 : vector<21x5120xf32>
    %jit3A_136 = arith.constant 0.000000e+00 : f32
    %jit3A_137 = arith.constant 8.000000e+02 : f32
    %max3A_138 = vector.broadcast %jit3A_136 : f32 to vector<21x5120xf32>
    %max3A_139 = arith.maximumf %max3A_138, %add3A_135 : vector<21x5120xf32>
    %min3A_140 = vector.broadcast %jit3A_137 : f32 to vector<21x5120xf32>
    %min3A_141 = arith.minimumf %min3A_140, %max3A_139 : vector<21x5120xf32>
    %swap3A_142 = arith.constant 3 : index
    %swap3A_143 = arith.constant 0 : index
    %swap3A_144 = arith.constant 0 : index
    %swap3A_145 = vector.load %arg4[%swap3A_142, %swap3A_143, %swap3A_144] : memref<4x21x5120xf32, #tpu.memory_space<vmem>>, vector<1x21x5120xf32>
    %swap3A_146 = vector.shape_cast %swap3A_145 : vector<1x21x5120xf32> to vector<21x5120xf32>
    %swap3A_147 = vector.shape_cast %min3A_141 : vector<21x5120xf32> to vector<1x21x5120xf32>
    tpu.vector_store %arg4[%swap3A_142, %swap3A_143, %swap3A_144], %swap3A_147 {strides = array<i32>} : memref<4x21x5120xf32, #tpu.memory_space<vmem>>, vector<1x21x5120xf32>,
    return
  }
}

</mosaic_0001>

<sc_bundles>
// kernel: kernel.4.cloned.1.call-start
scs
__scs_entry_jumppad:
0x0: {  	(pc) =	sbr.rel $0x88, $3  }
0x1: {  	(tag) =	ssettag $0x0;
	lr =	simm.s32 $0x1  }
0x2: {  	[smem:$0x3F9E] =	sst lr;
	_ =	strace $0xD0000000  }
0x3: {  	_ = 	snop  }
0x4: {  	_ = 	snop  }
0x5: {  	_ = 	snop  }
0x6: {  	_ = 	snop  }
0x7: {  	_ = 	snop  }
__scs_overlays_trampoline_lowered:
0x8: {  	[smem:$0x3FAD] =	sst s0  }
0x9: {  	[smem:$0x3FAE] =	sst s1  }
0xa: {  	[smem:$0x3FAF] =	sst s2  }
0xb: {  	[smem:$0x3FB0] =	sst s3  }
0xc: {  	[smem:$0x3FB1] =	sst s4  }
0xd: {  	[smem:$0x3FB2] =	sst s5  }
0xe: {  	[smem:$0x3FB3] =	sst s6  }
0xf: {  	[smem:$0x3FB4] =	sst s7  }
0x10: {  	[smem:$0x3FB5] =	sst s8  }
0x11: {  	[smem:$0x3FB6] =	sst s9;
	s0 =	simm.s32 @!p0 $0x0  }
0x12: {  	s1 =	sld [smem:$0x3F9C];
	s0 =	simm.s32 @p0 $0x1  }
0x13: {  	[smem:$0x3FB7] =	sst s0;
	s0 =	simm.s32 @!p1 $0x0  }
0x14: {  	s2 =	sld [smem:$0x3F9B];
	s0 =	simm.s32 @p1 $0x1  }
0x15: {  	[smem:$0x3FB8] =	sst s0;
	s0 =	simm.s32 @!p2 $0x0  }
0x16: {  	s3 =	sld [smem:$0x3FDB];
	s0 =	simm.s32 @p2 $0x1  }
0x17: {  	s4 =	simm.s32 $0x1BF5;
	[smem:$0x3FBA] =	sst s0  }
0x18: {  	s0 =	sld [smem:$0x3F9D];
	_ =	swait.ge [sflag:s4], $0x0  }
0x19: {  	s7 =	sld [smem:$0x3F9E]  }
0x1a: {  	s8 =	sadd.s32 $0xFFFFE003, lr  }
0x1b: {  	s9 =	sadd.s32 $0xFFFFFEF7, lr;
	s5 =	simm.s32 $0xFFFFFFFF;
	p2 =	slt.u32 s8, $0xFFFFF086  }
0x1c: {  	p1 =	slt.u32 s9, $0xF7A;
	s5 =	simm.s32 @!p2 $0x0  }
0x1d: {  	s5 =	simm.s32 @p1 $0x1;
	p0 =	seq.s32 s7, s2  }
0x1e: {  	s7 =	smul.u32 @!p0 $0xF7A, s2;
	p2 =	seq.s32 @!p0 s5, $0x0  }
0x1f: {  	s9 =	smul.u32 $0xF7A, s1;
	s8 =	simm.s32 @!p0 $0x1BF5;
	p2 =	por !p2, p0  }
0x20: {  	[sflag:s8] =	ssyncset.s32 @!p0 $0xFFFFF086;
	s6 =	sadd.s32 @!p0 s3, s7;
	s7 =	simm.s32 @!p0 $0x108  }
0x21: {  	s3 =	sadd.s32 s3, s9;
	s6 =	sadd.s32 @!p0 $0x88, s6;
	s7 =	simm.s32 @p2 $0x1082  }
0x22: {  	[simem:s7], [sflag:s8] =	dma.local @!p0 [hbm:s6], $0xF7A  }
0x23: {  	s9 =	sor.u32 $0xD0000000, s2;
	s6 =	simm.s32 $0x108;
	_ =	swait.ge @!p0 [sflag:s8], $0x0  }
0x24: {  	s3 =	sadd.s32 $0x88, s3;
	s6 =	simm.s32 @!p1 $0x1082;
	[sflag:s4] =	ssyncset.s32 $0xFFFFF086  }
0x25: {  	[simem:s6], [sflag:s4] =	dma.local [hbm:s3], $0xF7A  }
0x26: {  	[smem:$0x3F9E] =	sst s1;
	(tag) =	ssettag s2;
	_ =	strace s9  }
0x27: {  	s1 =	sld [smem:$0x3FAE]  }
0x28: {  	s2 =	sld [smem:$0x3FAF]  }
0x29: {  	s4 =	sld [smem:$0x3FB1]  }
0x2a: {  	p0 =	seq.s32 s5, $0x0;
	s5 =	sld [smem:$0x3FB2]  }
0x2b: {  	s6 =	sld [smem:$0x3FB3]  }
0x2c: {  	s7 =	sld [smem:$0x3FB4]  }
0x2d: {  	s3 =	simm.s32 $0x108;
	s8 =	sld [smem:$0x3FB5]  }
0x2e: {  	s3 =	simm.s32 @!p0 $0x1082;
	s9 =	sld [smem:$0x3FB6]  }
0x2f: {  	lr =	sadd.s32 s0, s3;
	s0 =	sld [smem:$0x3FAD]  }
0x30: {  	s3 =	sld [smem:$0x3FB0]  }
0x31: {  	[smem:$0x3FB9] =	sst s10  }
0x32: {  	s10 =	sld [smem:$0x3FB7];
	_ =	sdelay $0x3  }
0x33: {  	p0 =	seq.s32 s10, $0x1;
	s10 =	sld [smem:$0x3FB9];
	_ =	sdelay $0x3  }
0x34: {  	[smem:$0x3FB9] =	sst s10  }
0x35: {  	s10 =	sld [smem:$0x3FB8];
	_ =	sdelay $0x3  }
0x36: {  	p1 =	seq.s32 s10, $0x1;
	s10 =	sld [smem:$0x3FB9];
	_ =	sdelay $0x3  }
0x37: {  	[smem:$0x3FB9] =	sst s10  }
0x38: {  	s10 =	sld [smem:$0x3FBA]  }
0x39: {  	_ = 	snop;
	(pc) =	sbr.ind lr, $3  }
0x3a: {  	_ = 	snop  }
0x3b: {  	_ = 	snop  }
0x3c: {  	p2 =	seq.s32 s10, $0x1;
	s10 =	sld [smem:$0x3FB9]  }
0x3d: {  	_ =	shalt  }
0x3e: {  	_ =	shalt  }
0x3f: {  	_ =	shalt  }
0x40: {  	_ =	shalt  }
0x41: {  	_ =	shalt  }
0x42: {  	_ =	shalt  }
0x43: {  	_ =	shalt  }
0x44: {  	_ =	shalt  }
0x45: {  	_ =	shalt  }
0x46: {  	_ =	shalt  }
0x47: {  	_ =	shalt  }
0x48: {  	_ =	shalt  }
0x49: {  	_ =	shalt  }
0x4a: {  	_ =	shalt  }
0x4b: {  	_ =	shalt  }
0x4c: {  	_ =	shalt  }
0x4d: {  	_ =	shalt  }
0x4e: {  	_ =	shalt  }
0x4f: {  	_ =	shalt  }
0x50: {  	_ =	shalt  }
0x51: {  	_ =	shalt  }
0x52: {  	_ =	shalt  }
0x53: {  	_ =	shalt  }
0x54: {  	_ =	shalt  }
0x55: {  	_ =	shalt  }
0x56: {  	_ =	shalt  }
0x57: {  	_ =	shalt  }
0x58: {  	_ =	shalt  }
0x59: {  	_ =	shalt  }
0x5a: {  	_ =	shalt  }
0x5b: {  	_ =	shalt  }
0x5c: {  	_ =	shalt  }
0x5d: {  	_ =	shalt  }
0x5e: {  	_ =	shalt  }
0x5f: {  	_ =	shalt  }
0x60: {  	_ =	shalt  }
0x61: {  	_ =	shalt  }
0x62: {  	_ =	shalt  }
0x63: {  	_ =	shalt  }
0x64: {  	_ =	shalt  }
0x65: {  	_ =	shalt  }
0x66: {  	_ =	shalt  }
0x67: {  	_ =	shalt  }
0x68: {  	_ =	shalt  }
0x69: {  	_ =	shalt  }
0x6a: {  	_ =	shalt  }
0x6b: {  	_ =	shalt  }
0x6c: {  	_ =	shalt  }
0x6d: {  	_ =	shalt  }
0x6e: {  	_ =	shalt  }
0x6f: {  	_ =	shalt  }
0x70: {  	_ =	shalt  }
0x71: {  	_ =	shalt  }
0x72: {  	_ =	shalt  }
0x73: {  	_ =	shalt  }
0x74: {  	_ =	shalt  }
0x75: {  	_ =	shalt  }
0x76: {  	_ =	shalt  }
0x77: {  	_ =	shalt  }
0x78: {  	_ =	shalt  }
0x79: {  	_ =	shalt  }
0x7a: {  	_ =	shalt  }
0x7b: {  	_ =	shalt  }
0x7c: {  	_ =	shalt  }
0x7d: {  	_ =	shalt  }
0x7e: {  	_ =	shalt  }
0x7f: {  	_ =	shalt  }
0x80: {  	_ =	shalt  }
0x81: {  	_ =	shalt  }
0x82: {  	_ =	shalt  }
0x83: {  	_ =	shalt  }
0x84: {  	_ =	shalt  }
0x85: {  	_ =	shalt  }
0x86: {  	_ =	shalt  }
0x87: {  	_ =	shalt  }
.Lfunc_end0:
.L_simem_size_0:
called_computation_lowered:
.L_overlay_start_0:
0x88: {  	s2 =	sld [smem:$0x3FD9]  }
0x89: {  	s3 =	sld [smem:$0x3FFE];
	_ =	sdelay $0x1  }
0x8a: {  	s1 =	srdreg.scid  }
0x8b: {  	s0 =	sand.u32 $0x1, s1  }
0x8c: {  	s14 =	sshll.u32 s0, $0xA;
	s2 =	sadd.s32 s3, s2  }
0x8d: {  	s2 =	sadd.s32 s2, s14  }
0x8e: {  	[smem:$0x3FC5] =	sst s2  }
0x8f: {  	_ = 	snop  }
0x90: {  	s2 =	sld [smem:$0x3FD0];
	_ =	sdelay $0x2  }
0x91: {  	s15 =	simm.s32 $0xA;
	s4 =	simm.s32 $0x10  }
0x92: {  	[smem:s4], [sflag:s15] =	dma.local [hbm:s2], $0x1  }
0x93: {  	_ =	swait.eq [sflag:s15], $0x1  }
0x94: {  	[sflag:s15] =	ssyncset.done $0x0  }
0x95: {  	[sflag:s15] =	ssyncadd.s32 $0xFFFFFFFF  }
0x96: {  	s16 =	sld [smem:$0x10];
	(tm) =	ssettm $0x1  }
0x97: {  	s17 =	sld [smem:$0x3FFB];
	_ =	sdelay $0x3  }
0x98: {  	_ =	strace s17  }
0x99: {  	s3 =	sld [smem:$0x3FFC];
	_ =	sdelay $0x3  }
0x9a: {  	_ =	strace s3  }
0x9b: {  	s3 =	sld [smem:$0x3FFD];
	_ =	sdelay $0x3  }
0x9c: {  	_ =	strace s3  }
0x9d: {  	_ =	strace $0x8FFFFFFF  }
0x9e: {  	s18 =	sld [smem:$0x3FDB];
	_ =	sdelay $0x1  }
0x9f: {  	s19 =	simm.s32 $_scs_section_size  }
0xa0: {  	s5 =	simm.s32 $_size__tile_overlayer_lowered;
	s6 =	simm.s32 $_tile_overlayer_lowered  }
0xa1: {  	s22 =	simm.s32 $0x1BFF;
	s21 =	sshll.u32 s6, $0x1;
	s3 =	sadd.s32 s19, s18  }
0xa2: {  	s7 =	simm.s32 $0x0;
	s20 =	sshll.u32 s5, $0x1;
	s5 =	sadd.s32 s21, s3  }
0xa3: {  	[timem:s7], [sflag:s22] =	dma.local [hbm:s5], s20  }
0xa4: {  	_ =	swait.ge [sflag:s22], s20  }
0xa5: {  	s4 =	ssub.s32 $0x0, s20;
	[sflag:s22] =	ssyncset.done $0x0  }
0xa6: {  	[sflag:s22] =	ssyncadd.s32 s4;
	_ =	sdelay $0x1  }
0xa7: {  	s23 =	simm.s32 $0x1B8B  }
0xa8: {  	_ =	swait.ge [sflag:s23], $0x1  }
0xa9: {  	[sflag:s23] =	ssyncset.done $0x0  }
0xaa: {  	s25 =	simm.s32 $0x1B8E;
	s24 =	sld [smem:$0x3FFE];
	[sflag:s23] =	ssyncadd.s32 $0xFFFFFFFF  }
0xab: {  	s26 =	simm.s32 $execute0_lowered;
	[smem:$0x3FD2] =	sst s25  }
0xac: {  	s5 =	sshll.u32 s26, $0x1;
	_ =	strace $0x80000046;
	[dreg:$0x1] =	wrdreg $0xFFFFFFFF  }
0xad: {  	s28 =	simm.s32 $_size_execute0_lowered;
	s3 =	sadd.s32 s3, s5;
	[dreg:$0x0] =	wrdreg $0x0  }
0xae: {  	s5 =	sshll.u32 s28, $0x1;
	[dreg:$0x2] =	wrdreg s3  }
0xaf: {  	[dreg:$0x3] =	wrdreg s5  }
0xb0: {  	[dreg:$0x4] =	wrdreg $0xC0  }
0xb1: {  	_ =	task [dreg:s7], $0x5FFFF  }
0xb2: {  	[dreg:$0x1] =	wrdreg $0xFFFFFFFF  }
0xb3: {  	[dreg:$0x0] =	wrdreg $0x60  }
0xb4: {  	[dreg:$0x2] =	wrdreg s24  }
0xb5: {  	[dreg:$0x3] =	wrdreg s16  }
0xb6: {  	[dreg:$0x4] =	wrdreg $0x9  }
0xb7: {  	_ =	task.clear_ibuf [dreg:s7], $0x5FFFF;
	_ =	strace $0x90000046  }
0xb8: {  	s29 =	simm.s32 $0x9;
	_ =	strace $0x80000048  }
0xb9: {  	_ =	swait.ge [sflag:s29], $0x1  }
0xba: {  	[sflag:s29] =	ssyncadd.s32 $0xFFFFFFFF  }
0xbb: {  	_ =	strace $0x90000048  }
0xbc: {  	_ =	sfence  }
0xbd: {  	s30 =	sld [smem:$0x0];
	_ =	sdelay $0x2  }
0xbe: {  	s31 =	sshll.u32 s1, $0xD;
	s1 =	sshrl.u32 s1, $0x2  }
0xbf: {  	s3 =	sand.u32 $0x4000, s31;
	s1 =	sadd.s32 s1, s30  }
0xc0: {  	s0 =	sor.u32 s3, s0;
	s1 =	sshll.u32 s1, $0x11  }
0xc1: {  	s0 =	sor.u32 s1, s0  }
0xc2: {  	s0 =	sadd.s32 $0x8F2B, s0  }
0xc3: {  	[sflag:s0] =	ssyncadd.remote.s32 $0x1  }
0xc4: {  	_ =	sfence.sel $0xFFFF  }
0xc5: {  	[dreg:$0x0] =	wrdreg $0xFFFFFFFF;
	(pc) =	sbr.abs _section_cstart, $3  }
0xc6: {  	[dreg:$0x1] =	wrdreg $0xFFFFFFFF  }
0xc7: {  	_ =	task.clear_ibuf [dreg:s7], $0x2FFFF;
	_ =	strace $0x9FFFFFFF  }
0xc8: {  	(tm) =	ssettm $0x7FFFFFFF  }
0xc9: {  	_ =	shalt  }
tec
execute0_lowered:
.L_overlay_start_1:
0x0: {  	(tag) =	ssettag $0x1  }
0x1: {  	s1 =	stileid.u32  }
0x2: {  	p0 =	sgt.u32 s1, $0x9  }
.Ltmp0:
0x3: {  	_ = 	snop;
	(pc) =	sbr.rel @p0 .LBB2_22-.Ltmp0, $4  }
0x4: {  	_ = 	snop  }
0x5: {  	s3 =	rddreg [dreg:$0x0];
	s2 =	simm.s32 $0x0  }
0x6: {  	[smem:$0x7FF] =	sst s2  }
0x7: {  	s0 =	rddreg [dreg:$0x1];
	_ =	strace $0x80000047  }
0x8: {  	s4 =	srdreg.scid;
	s1 =	stileid.u32;
	s11 =	sadd.s32 $0xFE00, s3  }
0x9: {  	s9 =	sadd.s32 $0xE00, s3;
	s15 =	simm.s32 $0x6580;
	s16 =	simm.s32 $0x1400  }
0xa: {  	s18 =	simm.s32 $0x2;
	s7 =	sand.u32 $0x1, s4;
	s24 =	sshll.u32 s1, $0x1  }
0xb: {  	s21 =	simm.s32 $0x0;
	s25 =	sshrl.u32 s1, $0x2;
	s10 =	sor.u32 s7, s24  }
0xc: {  	s6 =	sshll.u32 s25, $0xC;
	s4 =	sshll.u32 s25, $0xA;
	s14 =	ssub.s32 $0x2, s7  }
0xd: {  	s5 =	sshll.u32 s10, $0x7;
	s8 =	sadd.s32 $0x1, s10;
	s31 =	sshrl.u32 s14, $0x1  }
0xe: {  	s5 =	sand.u32 $0x380, s5;
	s12 =	sshrl.u32 s8, $0x3;
	s8 =	sshll.u32 s8, $0x7  }
0xf: {  	s6 =	sor.u32 s6, s5;
	s12 =	smul.u32 $0xA000, s12;
	s4 =	sor.u32 s4, s5  }
0x10: {  	s26 =	sand.u32 $0x380, s8;
	s6 =	sshrl.u32 s6, $0x3;
	s28 =	sshrl.u32 s4, $0x3  }
0x11: {  	s6 =	sadd.s32 s6, s3;
	s12 =	sor.u32 s26, s12;
	s13 =	sadd.s32 s28, s3  }
0x12: {  	s7 =	sadd.s32 s0, s28;
	s0 =	ssub.s32 s14, s31;
	s14 =	simm.s32 $0x1  }
0x13: {  	s29 =	sadd.s32 $0x1E000, s12;
	s30 =	sadd.s32 $0x3C000, s12;
	s5 =	sadd.s32 $0x5A000, s12  }
.Ltmp1:
0x14: {  	s6 =	sadd.s32 $0x13C00, s6;
	s12 =	sshrl.u32 s12, $0x3;
	(pc) =	sbr.rel .LBB2_2-.Ltmp1, $4  }
0x15: {  	v1 =	vlaneseq.u32;
	v2 =	vimm.f32 $0.0e+00;
	s8 =	sadd.s32 $0x13A00, s13;
	s13 =	simm.s32 $0x400;
	s3 =	sshrl.u32 s29, $0x3  }
0x16: {  	v3 =	vimm.f32 $-1.000000000e+00;
	v4 =	vor.u32 $0x10, v1;
	v0 =	vmov s10;
	s4 =	sshrl.u32 s30, $0x3;
	s5 =	sshrl.u32 s5, $0x3;
	s10 =	sadd.s32 s11, s12  }
0x17: {  	v5 =	vor.u32 $0x20, v1;
	v6 =	vor.u32 $0x30, v1;
	v7 =	vor.u32 $0x40, v1;
	s11 =	smax.u32 s0, $0x1;
	s3 =	sadd.s32 s9, s3;
	s4 =	sadd.s32 s9, s4  }
0x18: {  	v8 =	vor.u32 $0x50, v1;
	v9 =	vor.u32 $0x60, v1;
	v10 =	vor.u32 $0x70, v1;
	s5 =	sadd.s32 s9, s5;
	s9 =	sadd.s32 s9, s12;
	s12 =	simm.s32 $0x80  }
.LBB2_29:
0x19: {  	s22 =	smov.u32 @p1 s22  }
.LBB2_21:
0x1a: {  	v11 =	vmov s22  }
0x1b: {  	vm0 =	vgt.u32 v11, v1  }
0x1c: {  	vm9 =	vgt.u32 v11, v4;
	v12 =	vnsel vm0, $0xFFFFFFFF, v0  }
0x1d: {  	vm10 =	vgt.u32 v11, v5;
	v58 =	vnsel vm9, $0xFFFFFFFF, v0;
	[tilespmem:$0x6C80] =	vst v12  }
0x1e: {  	vm11 =	vgt.u32 v11, v6;
	v59 =	vnsel vm10, $0xFFFFFFFF, v0;
	[tilespmem:$0x6C90] =	vst v58  }
0x1f: {  	vm12 =	vgt.u32 v11, v7;
	v60 =	vnsel vm11, $0xFFFFFFFF, v0;
	[tilespmem:$0x6CA0] =	vst v59  }
0x20: {  	vm13 =	vgt.u32 v11, v8;
	v61 =	vnsel vm12, $0xFFFFFFFF, v0;
	[tilespmem:$0x6CB0] =	vst v60  }
0x21: {  	vm14 =	vgt.u32 v11, v9;
	v62 =	vnsel vm13, $0xFFFFFFFF, v0;
	[tilespmem:$0x6CC0] =	vst v61  }
0x22: {  	vm15 =	vgt.u32 v11, v10;
	v63 =	vnsel vm14, $0xFFFFFFFF, v0;
	[tilespmem:$0x6CD0] =	vst v62  }
0x23: {  	v11 =	vnsel vm15, $0xFFFFFFFF, v0;
	[tilespmem:$0x6CE0] =	vst v63  }
0x24: {  	s0 =	simm.s32 $0x6A00;
	[tilespmem:$0x6CF0] =	vst v11  }
0x25: {  	[hbm4b:s6+s12] =	stream.strided.scatter [tilespmem:s0], [sflag:$0x2], $0x200, s13, s12, $0x38;
	[tilespmem:$0x6D00] =	vst v63  }
0x26: {  	_ =	swait.ge [sflag:s18], $0x200  }
0x27: {  	[sflag:s18] =	ssyncset.done $0x0  }
0x28: {  	s30 =	simm.s32 $0x6C00;
	[sflag:s18] =	ssyncadd.s32 $0xFFFFFE00  }
0x29: {  	[hbm4b:s7+s2] =	stream.linear.scatter [tilespmem:s30], [sflag:$0x2], $0x80, $0x38;
	[tilespmem:$0x6D00] =	vst v63  }
0x2a: {  	s21 =	sadd.s32 $0x1, s21;
	_ =	swait.ge [sflag:s18], $0x80  }
0x2b: {  	p0 =	seq.s32 s21, s11;
	[sflag:s18] =	ssyncset.done $0x0  }
.Ltmp2:
0x2c: {  	s31 =	simm.s32 $0x6C80;
	[sflag:s18] =	ssyncadd.s32 $0xFFFFFF80;
	(pc) =	sbr.rel @p0 .LBB2_22-.Ltmp2, $4  }
0x2d: {  	[hbm4b:s8+s2] =	stream.linear.scatter [tilespmem:s31], [sflag:$0x2], $0x80, $0x38;
	[tilespmem:$0x6D00] =	vst v63  }
0x2e: {  	_ =	swait.ge [sflag:s18], $0x80  }
0x2f: {  	[sflag:s18] =	ssyncset.done $0x0  }
0x30: {  	[sflag:s18] =	ssyncadd.s32 $0xFFFFFF80  }
.LBB2_2:
0x31: {  	s0 =	simm.s32 $0x0;
	s24 =	sadd.s32 $0x0, s9  }
0x32: {  	[tilespmem:s0], [sflag:$0x1] =	stream.strided.gather [hbm4b:s10+s12], $0x1400, s13, s12, $0x38;
	[tilespmem:$0x6D00] =	vst v63  }
0x33: {  	s22 =	simm.s32 $0x1600;
	s23 =	simm.s32 $0x1400;
	s0 =	simm.s32 $0x80  }
.LBB2_3:
0x34: {  	[tilespmem:s23], [sflag:$0x1] =	stream.linear.gather [hbm4b:s24+s2], $0x80, $0x38;
	[tilespmem:$0x6D00] =	vst v63  }
0x35: {  	s24 =	smov.u32 s0;
	s23 =	smov.u32 s22;
	p0 =	sne.s32 s0, $0x1380  }
.Ltmp3:
0x36: {  	s0 =	sadd.s32 $0x80, s0;
	(pc) =	sbr.rel @p0 .LBB2_3-.Ltmp3, $2  }
0x37: {  	_ =	sdelay $0x2  }
0x38: {  	s22 =	sadd.s32 $0x200, s22;
	s24 =	sadd.s32 s24, s9  }
0x39: {  	[tilespmem:s23], [sflag:$0x1] =	stream.linear.gather [hbm4b:s24+s2], $0x80, $0x38;
	[tilespmem:$0x6D00] =	vst v63  }
0x3a: {  	s0 =	simm.s32 $0x1480  }
0x3b: {  	s22 =	simm.s32 $0x80;
	s24 =	sadd.s32 $0x0, s3;
	s23 =	simm.s32 $0x1680  }
.LBB2_5:
0x3c: {  	[tilespmem:s0], [sflag:$0x1] =	stream.linear.gather [hbm4b:s24+s2], $0x80, $0x38;
	[tilespmem:$0x6D00] =	vst v63  }
0x3d: {  	s24 =	smov.u32 s22;
	s0 =	smov.u32 s23;
	p0 =	sne.s32 s22, $0x1380  }
.Ltmp4:
0x3e: {  	s22 =	sadd.s32 $0x80, s22;
	(pc) =	sbr.rel @p0 .LBB2_5-.Ltmp4, $2  }
0x3f: {  	_ =	sdelay $0x2  }
0x40: {  	s23 =	sadd.s32 $0x200, s23;
	s24 =	sadd.s32 s24, s3  }
0x41: {  	[tilespmem:s0], [sflag:$0x1] =	stream.linear.gather [hbm4b:s24+s2], $0x80, $0x38;
	[tilespmem:$0x6D00] =	vst v63  }
0x42: {  	s0 =	simm.s32 $0x1500  }
0x43: {  	s22 =	simm.s32 $0x80;
	s24 =	sadd.s32 $0x0, s4;
	s23 =	simm.s32 $0x1700  }
.LBB2_7:
0x44: {  	[tilespmem:s0], [sflag:$0x1] =	stream.linear.gather [hbm4b:s24+s2], $0x80, $0x38;
	[tilespmem:$0x6D00] =	vst v63  }
0x45: {  	s24 =	smov.u32 s22;
	s0 =	smov.u32 s23;
	p0 =	sne.s32 s22, $0x1380  }
.Ltmp5:
0x46: {  	s22 =	sadd.s32 $0x80, s22;
	(pc) =	sbr.rel @p0 .LBB2_7-.Ltmp5, $2  }
0x47: {  	_ =	sdelay $0x2  }
0x48: {  	s23 =	sadd.s32 $0x200, s23;
	s24 =	sadd.s32 s24, s4  }
0x49: {  	[tilespmem:s0], [sflag:$0x1] =	stream.linear.gather [hbm4b:s24+s2], $0x80, $0x38;
	[tilespmem:$0x6D00] =	vst v63  }
0x4a: {  	s0 =	simm.s32 $0x0;
	s22 =	simm.s32 $0x1580  }
.LBB2_9:
0x4b: {  	p0 =	sne.s32 s0, $0x1380  }
.Ltmp6:
0x4c: {  	_ = 	snop;
	(pc) =	sbr.rel @p0 .LBB2_9-.Ltmp6, $4  }
0x4d: {  	_ = 	snop  }
0x4e: {  	s23 =	sadd.s32 s0, s5  }
0x4f: {  	[tilespmem:s22], [sflag:$0x1] =	stream.linear.gather [hbm4b:s23+s2], $0x80, $0x38;
	[tilespmem:$0x6D00] =	vst v63  }
0x50: {  	s0 =	sadd.s32 $0x80, s0;
	s22 =	sadd.s32 $0x200, s22  }
0x51: {  	s23 =	simm.s32 $0x6A20  }
0x52: {  	[tilespmem:s23+$0xFFFFFFE0] =	vst v2  }
0x53: {  	[tilespmem:s23+$0x10] =	vst v2  }
0x54: {  	s24 =	simm.s32 $0x0;
	s22 =	simm.s32 $0x6710;
	s0 =	simm.s32 $0x6C10;
	[tilespmem:s23+$0x0] =	vst v2  }
.LBB2_11:
0x55: {  	s24 =	sadd.s32 $0x4, s24  }
0x56: {  	[tilespmem:s23+$0xFFFFFFF0] =	vst v2;
	s23 =	sadd.s32 $0x40, s23;
	p0 =	slt.u32 s24, $0x1C  }
.Ltmp7:
0x57: {  	[tilespmem:s23+$0xFFFFFFE0] =	vst v2;
	(pc) =	sbr.rel @p0 .LBB2_11-.Ltmp7, $3  }
0x58: {  	_ =	sdelay $0x1  }
0x59: {  	[tilespmem:s23+$0x10] =	vst v2  }
0x5a: {  	[tilespmem:s23+$0x0] =	vst v2  }
0x5b: {  	[tilespmem:s23+$0xFFFFFFF0] =	vst v2  }
0x5c: {  	[tilespmem:s0+$0x0] =	vst v2  }
0x5d: {  	[tilespmem:s0+$0xFFFFFFF0] =	vst v2  }
0x5e: {  	[tilespmem:s22+$0xFFFFFF00] =	vst v2  }
0x5f: {  	[tilespmem:s22+$0xFFFFFF80] =	vst v2  }
0x60: {  	[tilespmem:s22+$0x0] =	vst v2  }
0x61: {  	[tilespmem:s22+$0x80] =	vst v2  }
0x62: {  	[tilespmem:s22+$0x100] =	vst v2  }
0x63: {  	[tilespmem:s22+$0xFFFFFEF0] =	vst v2  }
0x64: {  	[tilespmem:s22+$0xFFFFFF70] =	vst v2  }
0x65: {  	[tilespmem:s22+$0xFFFFFFF0] =	vst v2  }
0x66: {  	[tilespmem:s22+$0x70] =	vst v2  }
0x67: {  	s23 =	simm.s32 $0x0;
	s24 =	simm.s32 $0x6C30;
	s0 =	simm.s32 $0x6420;
	[tilespmem:s22+$0xF0] =	vst v2  }
.LBB2_13:
0x68: {  	[tilespmem:s24+$0x0] =	vst v2;
	s22 =	sadd.s32 $0x20, s22  }
0x69: {  	[tilespmem:s22+$0xFFFFFF00] =	vst v2  }
0x6a: {  	[tilespmem:s22+$0xFFFFFF80] =	vst v2  }
0x6b: {  	[tilespmem:s22+$0x0] =	vst v2  }
0x6c: {  	[tilespmem:s22+$0x80] =	vst v2  }
0x6d: {  	s23 =	sadd.s32 $0x2, s23;
	[tilespmem:s22+$0x100] =	vst v2  }
0x6e: {  	p0 =	slt.u32 s23, $0x6;
	[tilespmem:s24+$0xFFFFFFF0] =	vst v2  }
.Ltmp8:
0x6f: {  	[tilespmem:s22+$0xFFFFFEF0] =	vst v2;
	(pc) =	sbr.rel @p0 .LBB2_13-.Ltmp8, $4  }
0x70: {  	[tilespmem:s22+$0xFFFFFF70] =	vst v2  }
0x71: {  	[tilespmem:s22+$0xFFFFFFF0] =	vst v2  }
0x72: {  	[tilespmem:s22+$0x70] =	vst v2  }
0x73: {  	s24 =	sadd.s32 $0x20, s24;
	[tilespmem:s22+$0xF0] =	vst v2  }
0x74: {  	[tilespmem:s0+$0xFFFFFFE0] =	vst v3  }
0x75: {  	[tilespmem:s0+$0x10] =	vst v3  }
0x76: {  	s22 =	simm.s32 $0x0;
	[tilespmem:s0+$0x0] =	vst v3  }
.LBB2_15:
0x77: {  	s22 =	sadd.s32 $0x4, s22  }
0x78: {  	[tilespmem:s0+$0xFFFFFFF0] =	vst v3;
	s0 =	sadd.s32 $0x40, s0;
	p0 =	slt.u32 s22, $0x10  }
.Ltmp9:
0x79: {  	[tilespmem:s0+$0xFFFFFFE0] =	vst v3;
	(pc) =	sbr.rel @p0 .LBB2_15-.Ltmp9, $3  }
0x7a: {  	_ =	sdelay $0x1  }
0x7b: {  	[tilespmem:s0+$0x10] =	vst v3  }
0x7c: {  	[tilespmem:s0+$0x0] =	vst v3  }
0x7d: {  	[tilespmem:s0+$0xFFFFFFF0] =	vst v3  }
0x7e: {  	[tilespmem:$0x6540] =	vst v3  }
0x7f: {  	[tilespmem:$0x6580] =	vst v3  }
0x80: {  	[tilespmem:$0x6590] =	vst v3  }
0x81: {  	_ =	swait.ge [sflag:s14], $0x1400  }
0x82: {  	[sflag:s14] =	ssyncset.done $0x0  }
0x83: {  	[sflag:s14] =	ssyncadd.s32 $0xFFFFEC00  }
0x84: {  	_ =	swait.ge [sflag:s14], $0x1400  }
0x85: {  	[sflag:s14] =	ssyncset.done $0x0  }
0x86: {  	[sflag:s14] =	ssyncadd.s32 $0xFFFFEC00  }
0x87: {  	_ =	swait.ge [sflag:s14], $0x1400  }
0x88: {  	[sflag:s14] =	ssyncset.done $0x0  }
0x89: {  	[sflag:s14] =	ssyncadd.s32 $0xFFFFEC00  }
0x8a: {  	_ =	swait.ge [sflag:s14], $0x1400  }
0x8b: {  	[sflag:s14] =	ssyncset.done $0x0  }
0x8c: {  	[sflag:s14] =	ssyncadd.s32 $0xFFFFEC00  }
0x8d: {  	_ =	swait.ge [sflag:s14], $0x1400  }
0x8e: {  	[sflag:s14] =	ssyncset.done $0x0  }
0x8f: {  	s23 =	simm.s32 $0x20;
	[sflag:s14] =	ssyncadd.s32 $0xFFFFEC00  }
0x90: {  	v11 =	vld [tilespmem:s23+$0xFFFFFFE0];
	_ =	sdelay $0x4  }
0x91: {  	vm0 =	vgt.f32 v11, $5.000000070e-02  }
0x92: {  	v11 =	vnsel vm0, $0xBF800000, v11  }
0x93: {  	s28 =	simm.s32 $0x0;
	(xrf0) =	vmax.scan.msk.f32 $0xffff, v11  }
0x94: {  	v12 =	vmov s28  }
0x95: {  	v12 =	vand.u32 $0xFFFFFFFC, v12  }
0x96: {  	v12 =	vbroadcast v12, $0x0;
	_ =	sdelay $0x2  }
0x97: {  	v13, _, _ =	vpop (xrf0)  }
0x98: {  	v13 =	vbroadcast v13, $0xF  }
0x99: {  	s22 =	simm.s32 $0x6400;
	[tilespmem:s23+$0xFFFFFFE0] =	vst v11  }
0x9a: {  	[tilespmem:v12+s22+$0x0] =	vst.idx.msk $0x1, v13  }
0x9b: {  	v11 =	vld [tilespmem:s23+$0xFFFFFFF0];
	_ =	sdelay $0x4  }
0x9c: {  	vm13 =	vgt.f32 v11, $5.000000070e-02  }
0x9d: {  	v11 =	vnsel vm13, $0xBF800000, v11  }
0x9e: {  	s29 =	simm.s32 $0x1;
	(xrf0) =	vmax.scan.msk.f32 $0xffff, v11  }
0x9f: {  	v12 =	vmov s29  }
0xa0: {  	v12 =	vand.u32 $0xFFFFFFFD, v12  }
0xa1: {  	v12 =	vbroadcast v12, $0x0;
	_ =	sdelay $0x2  }
0xa2: {  	v13, _, _ =	vpop (xrf0)  }
0xa3: {  	v13 =	vbroadcast v13, $0xF  }
0xa4: {  	[tilespmem:s23+$0xFFFFFFF0] =	vst v11  }
0xa5: {  	[tilespmem:v12+s22+$0x0] =	vst.idx.msk $0x1, v13  }
0xa6: {  	v11 =	vld [tilespmem:s23+$0x0];
	_ =	sdelay $0x4  }
0xa7: {  	vm14 =	vgt.f32 v11, $5.000000070e-02  }
0xa8: {  	v11 =	vnsel vm14, $0xBF800000, v11  }
0xa9: {  	s30 =	simm.s32 $0x2;
	(xrf0) =	vmax.scan.msk.f32 $0xffff, v11  }
0xaa: {  	v12 =	vmov s30  }
0xab: {  	v12 =	vand.u32 $0xFFFFFFFE, v12  }
0xac: {  	v12 =	vbroadcast v12, $0x0;
	_ =	sdelay $0x2  }
0xad: {  	v13, _, _ =	vpop (xrf0)  }
0xae: {  	v13 =	vbroadcast v13, $0xF  }
0xaf: {  	[tilespmem:s23+$0x0] =	vst v11  }
0xb0: {  	[tilespmem:v12+s22+$0x0] =	vst.idx.msk $0x1, v13  }
0xb1: {  	v11 =	vld [tilespmem:s23+$0x10];
	_ =	sdelay $0x4  }
0xb2: {  	vm15 =	vgt.f32 v11, $5.000000070e-02  }
0xb3: {  	v11 =	vnsel vm15, $0xBF800000, v11  }
0xb4: {  	(xrf0) =	vmax.scan.msk.f32 $0xffff, v11;
	_ =	sdelay $0x2  }
0xb5: {  	s31 =	simm.s32 $0x3  }
0xb6: {  	[tilespmem:s23+$0x10] =	vst v11;
	v11 =	vmov s31;
	_ =	sdelay $0x1  }
0xb7: {  	v12, _, _ =	vpop (xrf0)  }
0xb8: {  	s24 =	simm.s32 $0x7;
	v12 =	vbroadcast v12, $0xF  }
.LBB2_17:
0xb9: {  	p0 =	sne.s32 s24, $0x13F  }
0xba: {  	s23 =	sadd.s32 $0x40, s23;
	s25 =	smov.u32 s24;
	s24 =	sadd.s32 $0x4, s24;
	[tilespmem:v11+s22+$0x0] =	vst.idx.msk $0x1, v12  }
0xbb: {  	v11 =	vld [tilespmem:s23+$0xFFFFFFE0];
	_ =	sdelay $0x4  }
0xbc: {  	vm0 =	vgt.f32 v11, $5.000000070e-02  }
0xbd: {  	v11 =	vnsel vm0, $0xBF800000, v11  }
0xbe: {  	s0 =	sadd.s32 $0xFFFFFFFD, s25;
	(xrf0) =	vmax.scan.msk.f32 $0xffff, v11  }
0xbf: {  	v12 =	vmov s0  }
0xc0: {  	v12 =	vand.u32 $0xFFFFFFFC, v12  }
0xc1: {  	v12 =	vbroadcast v12, $0x0;
	_ =	sdelay $0x2  }
0xc2: {  	v13, _, _ =	vpop (xrf0)  }
0xc3: {  	v13 =	vbroadcast v13, $0xF  }
0xc4: {  	[tilespmem:s23+$0xFFFFFFE0] =	vst v11  }
0xc5: {  	[tilespmem:v12+s22+$0x0] =	vst.idx.msk $0x1, v13  }
0xc6: {  	v11 =	vld [tilespmem:s23+$0xFFFFFFF0];
	_ =	sdelay $0x4  }
0xc7: {  	vm0 =	vgt.f32 v11, $5.000000070e-02  }
0xc8: {  	v11 =	vnsel vm0, $0xBF800000, v11  }
0xc9: {  	s0 =	sadd.s32 $0xFFFFFFFE, s25;
	(xrf0) =	vmax.scan.msk.f32 $0xffff, v11  }
0xca: {  	v12 =	vmov s0  }
0xcb: {  	v12 =	vand.u32 $0xFFFFFFFD, v12  }
0xcc: {  	v12 =	vbroadcast v12, $0x0;
	_ =	sdelay $0x2  }
0xcd: {  	v13, _, _ =	vpop (xrf0)  }
0xce: {  	v13 =	vbroadcast v13, $0xF  }
0xcf: {  	[tilespmem:s23+$0xFFFFFFF0] =	vst v11  }
0xd0: {  	[tilespmem:v12+s22+$0x0] =	vst.idx.msk $0x1, v13  }
0xd1: {  	v11 =	vld [tilespmem:s23+$0x0];
	_ =	sdelay $0x4  }
0xd2: {  	vm0 =	vgt.f32 v11, $5.000000070e-02  }
0xd3: {  	v11 =	vnsel vm0, $0xBF800000, v11  }
0xd4: {  	s0 =	sadd.s32 $0xFFFFFFFF, s25;
	[tilespmem:s23+$0x0] =	vst v11;
	(xrf0) =	vmax.scan.msk.f32 $0xffff, v11  }
0xd5: {  	v11 =	vmov s0  }
0xd6: {  	v11 =	vand.u32 $0xFFFFFFFE, v11  }
0xd7: {  	v11 =	vbroadcast v11, $0x0;
	_ =	sdelay $0x2  }
0xd8: {  	v12, _, _ =	vpop (xrf0)  }
0xd9: {  	v12 =	vbroadcast v12, $0xF;
	_ =	sdelay $0x1  }
0xda: {  	[tilespmem:v11+s22+$0x0] =	vst.idx.msk $0x1, v12  }
0xdb: {  	v11 =	vld [tilespmem:s23+$0x10];
	_ =	sdelay $0x4  }
0xdc: {  	vm0 =	vgt.f32 v11, $5.000000070e-02  }
0xdd: {  	v11 =	vnsel vm0, $0xBF800000, v11  }
0xde: {  	[tilespmem:s23+$0x10] =	vst v11;
	(xrf0) =	vmax.scan.msk.f32 $0xffff, v11;
	_ =	sdelay $0x2  }
.Ltmp10:
0xdf: {  	(pc) =	sbr.rel @p0 .LBB2_17-.Ltmp10, $3  }
0xe0: {  	v11 =	vmov s25;
	_ =	sdelay $0x1  }
0xe1: {  	v12, _, _ =	vpop (xrf0)  }
0xe2: {  	v12 =	vbroadcast v12, $0xF  }
0xe3: {  	_ =	sdelay $0x3  }
0xe4: {  	[tilespmem:v11+s22+$0x0] =	vst.idx.msk $0x1, v12  }
0xe5: {  	s0 =	simm.s32 $0x0;
	s23 =	simm.s32 $0x1;
	v11 =	vld [tilespmem:s22+$0x0]  }
.LBB2_19:
0xe6: {  	p0 =	sne.s32 s23, $0x13;
	_ =	sdelay $0x3  }
0xe7: {  	(xrf0) =	vmax.scan.msk.f32 $0xffff, v11;
	_ =	sdelay $0x3  }
0xe8: {  	v11 =	vmov s0;
	s0 =	smov.u32 s23;
	_ =	sdelay $0x1  }
.Ltmp11:
0xe9: {  	v12, _, _ =	vpop (xrf0);
	(pc) =	sbr.rel @p0 .LBB2_19-.Ltmp11, $3  }
0xea: {  	v12 =	vbroadcast v12, $0xF;
	_ =	sdelay $0x1  }
0xeb: {  	s22 =	sadd.s32 $0x10, s22;
	[tilespmem:v11+s15+$0x0] =	vst.idx.msk $0x1, v12  }
0xec: {  	s23 =	sadd.s32 $0x1, s23;
	v11 =	vld [tilespmem:s22+$0x0]  }
0xed: {  	_ =	sdelay $0x3  }
0xee: {  	(xrf0) =	vmax.scan.msk.f32 $0xffff, v11;
	_ =	sdelay $0x3  }
0xef: {  	v11 =	vmov s0;
	_ =	sdelay $0x1  }
0xf0: {  	v12, _, _ =	vpop (xrf0)  }
0xf1: {  	v12 =	vbroadcast v12, $0xF;
	_ =	sdelay $0x1  }
0xf2: {  	[tilespmem:v11+s15+$0x0] =	vst.idx.msk $0x1, v12  }
0xf3: {  	v11 =	vld [tilespmem:$0x6580]  }
0xf4: {  	v12 =	vld [tilespmem:$0x6590];
	_ =	sdelay $0x4  }
0xf5: {  	v11 =	vmax.f32 v11, v12  }
0xf6: {  	(xrf0) =	vmax.scan.msk.f32 $0xffff, v11;
	_ =	sdelay $0x5  }
0xf7: {  	v11, _, _ =	vpop (xrf0)  }
0xf8: {  	(v2sf) =	vpush v11, $0xF;
	_ =	sdelay $0xe  }
0xf9: {  	s23 =	spop (v2sf)  }
0xfa: {  	p0 =	sgt.f32 s23, $0.0e+00  }
.Ltmp12:
0xfb: {  	_ = 	snop;
	(pc) =	sbr.rel @p0 .LBB2_23-.Ltmp12, $4  }
.Ltmp13:
0xfc: {  	_ = 	snop;
	(pc) =	sbr.rel @!p0 .LBB2_21-.Ltmp13, $4  }
0xfd: {  	_ = 	snop  }
0xfe: {  	_ = 	snop  }
0xff: {  	s22 =	simm.s32 $0x0  }
0x100: {  	_ = 	snop  }
.LBB2_28:
0x101: {  	(xrf0) =	vmax.scan.msk.f32 $0xffff, v16;
	_ =	sdelay $0x5  }
0x102: {  	v16, _, _ =	vpop (xrf0)  }
0x103: {  	(v2sf) =	vpush v16, $0xF;
	_ =	sdelay $0xe  }
0x104: {  	s0 =	spop (v2sf)  }
0x105: {  	p0 =	sle.f32 s0, $3.000000120e-01;
	_ =	sdelay $0x1  }
0x106: {  	s17 =	simm.s32 $0x1;
	v16 =	vmov @p0 s22  }
0x107: {  	s17 =	simm.s32 @!p0 $0x0;
	v17 =	vor.u32 @p0 $0x80, v16  }
0x108: {  	s1 =	sshll.u32 @p0 s22, $0x2;
	v18 =	vor.u32 @p0 $0x100, v16;
	s22 =	sadd.s32 s17, s22  }
0x109: {  	v19 =	vor.u32 @p0 $0x180, v16;
	p1 =	sgt.u32 s22, $0x63  }
0x10a: {  	s0 =	simm.s32 @p0 $0x6600;
	v21 =	vlaneseq.u32 @p0;
	v20 =	vor.u32 @p0 $0x200, v16;
	p2 =	sgt.f32 @!p1 s24, $0.0e+00  }
0x10b: {  	v21 =	vadd.s32 @p0 s1, v21;
	[tilespmem:v16+s0+$0x0] =	vst.idx.msk @p0 $0x1, v11  }
0x10c: {  	vm0 =	vcmask @p0 $0x3F0C;
	p2 =	por p1, !p2;
	[tilespmem:v17+s0+$0x0] =	vst.idx.msk @p0 $0x1, v12  }
.Ltmp14:
0x10d: {  	[tilespmem:v18+s0+$0x0] =	vst.idx.msk @p0 $0x1, v14;
	v14 =	vsel @p0 vm0, v13, v14;
	vm0 =	vcmask @p0 $0x3F08;
	(pc) =	sbr.rel @p2 .LBB2_29-.Ltmp14, $4  }
0x10e: {  	vm1 =	vmmov @p0 $0x1;
	[tilespmem:v19+s0+$0x0] =	vst.idx.msk @p0 $0x1, v13;
	v12 =	vsel @p0 vm0, v14, v12  }
0x10f: {  	[tilespmem:v20+s0+$0x0] =	vst.idx.msk @p0 $0x1, v15;
	v11 =	vsel @p0 vm1, v11, v12;
	s0 =	simm.s32 @p0 $0x6A00  }
0x110: {  	v12 =	vmov s23;
	[tilespmem:v21+s0+$0x0] =	vst.idx.msk @p0 $0xf, v11;
	s0 =	simm.s32 @p0 $0x6C00  }
0x111: {  	s23 =	smov.u32 s24;
	[tilespmem:v16+s0+$0x0] =	vst.idx.msk @p0 $0x1, v12  }
.LBB2_23:
0x112: {  	v11 =	vld [tilespmem:$0x6580]  }
0x113: {  	v12 =	vld [tilespmem:$0x6590];
	_ =	sdelay $0x3  }
0x114: {  	vm0 =	vge.f32 v11, s23  }
0x115: {  	vm10 =	vge.f32 v12, s23;
	v13 =	vmctz.xlane vm0  }
0x116: {  	v14 =	vmctz.xlane vm10  }
0x117: {  	(v2sf) =	vpush v13, $0x0  }
0x118: {  	(v2sf) =	vpush v14, $0x0;
	_ =	sdelay $0xd  }
0x119: {  	s0 =	spop (v2sf)  }
0x11a: {  	s24 =	spop (v2sf)  }
0x11b: {  	p0 =	slt.s32 s0, $0x10;
	s24 =	sadd.s32 $0x10, s24  }
0x11c: {  	s24 =	smov.u32 @p0 s0  }
0x11d: {  	s0 =	sshll.u32 s24, $0x4  }
0x11e: {  	v13 =	vld [tilespmem:s0+$0x6400];
	_ =	sdelay $0x4  }
0x11f: {  	vm11 =	vge.f32 v13, s23  }
0x120: {  	v14 =	vmctz.xlane vm11;
	_ =	sdelay $0x1  }
0x121: {  	(v2sf) =	vpush v14, $0x0;
	_ =	sdelay $0xe  }
0x122: {  	s25 =	spop (v2sf)  }
0x123: {  	s25 =	sadd.s32 s25, s0  }
0x124: {  	s25 =	sshll.u32 s25, $0x4  }
0x125: {  	v15 =	vld [tilespmem:s25+$0x0];
	_ =	sdelay $0x4  }
0x126: {  	vm12 =	vge.f32 v15, s23  }
0x127: {  	v16 =	vmctz.xlane vm12;
	_ =	sdelay $0x1  }
0x128: {  	v17 =	vbroadcast v16, $0x0;
	_ =	sdelay $0x1  }
0x129: {  	vm13 =	veq.s32 v17, v1  }
0x12a: {  	v15 =	vsel vm13, $0xBF800000, v15  }
0x12b: {  	(xrf0) =	vmax.scan.msk.f32 $0xffff, v15;
	_ =	sdelay $0x4  }
0x12c: {  	(v2sf) =	vpush v16, $0x0  }
0x12d: {  	v14 =	vbroadcast v14, $0x0;
	v17, _, _ =	vpop (xrf0)  }
0x12e: {  	v16 =	vbroadcast v17, $0xF  }
0x12f: {  	vm14 =	veq.s32 v14, v1  }
0x130: {  	v13 =	vsel vm14, v16, v13  }
0x131: {  	(xrf0) =	vmax.scan.msk.f32 $0xffff, v13;
	_ =	sdelay $0x5  }
0x132: {  	v14, _, _ =	vpop (xrf0)  }
0x133: {  	v16 =	vmov s24;
	v14 =	vbroadcast v14, $0xF  }
0x134: {  	vm15 =	veq.s32 v16, v1;
	vm1 =	veq.s32 v16, v4  }
0x135: {  	v11 =	vsel vm15, v14, v11;
	v12 =	vsel vm1, v14, v12  }
0x136: {  	s31 =	spop (v2sf);
	v11 =	vmax.f32 v11, v12  }
0x137: {  	s24 =	sadd.s32 s31, s25;
	(xrf0) =	vmax.scan.msk.f32 $0xffff, v11  }
0x138: {  	v11 =	vmov s24  }
0x139: {  	v12 =	vshll.u32 v11, $0x2  }
0x13a: {  	v12 =	vand.u32 $0xFFFFFE00, v12;
	_ =	sdelay $0x1  }
0x13b: {  	v11 =	vand.u32 $0x7F, v11  }
0x13c: {  	v11 =	vor.u32 v11, v12;
	v12, _, _ =	vpop (xrf0)  }
0x13d: {  	[tilespmem:s25+$0x0] =	vst v15;
	v15 =	vor.u32 $0x100, v11;
	(v2sf) =	vpush v12, $0xF  }
0x13e: {  	[tilespmem:s0+$0x6400] =	vst v13;
	v13 =	vor.u32 $0x180, v11  }
0x13f: {  	v12 =	vor.u32 $0x80, v11  }
0x140: {  	[tilespmem:v16+s15+$0x0] =	vst.idx.msk $0x1, v14  }
0x141: {  	v11 =	vld.idx.msk [tilespmem:v11+s16+$0x0], $0xffff  }
0x142: {  	v14 =	vld.idx.msk [tilespmem:v15+s16+$0x0], $0xffff  }
0x143: {  	v13 =	vld.idx.msk [tilespmem:v13+s16+$0x0], $0xffff  }
0x144: {  	v12 =	vld.idx.msk [tilespmem:v12+s16+$0x0], $0xffff  }
0x145: {  	s26 =	sadd.s32 $0xF, s22  }
0x146: {  	s25 =	sand.u32 $0xE0, s26  }
0x147: {  	p0 =	seq.s32 s25, $0x0  }
.Ltmp15:
0x148: {  	_ = 	snop;
	(pc) =	sbr.rel @p0 .LBB2_24-.Ltmp15, $3  }
0x149: {  	v15 =	vsub.f32 v14, v11;
	v16 =	vsub.f32 v13, v12;
	_ =	sdelay $0x1  }
0x14a: {  	v15 =	vmax.f32 v15, $0.0e+00;
	v16 =	vmax.f32 v16, $0.0e+00  }
0x14b: {  	v15 =	vmul.f32 v16, v15;
	s24 =	spop (v2sf)  }
0x14c: {  	s28 =	simm.s32 $0x0  }
0x14d: {  	s30 =	sand.u32 $0x7FFFFF80, s28  }
0x14e: {  	s0 =	simm.s32 $0x6600;
	s31 =	sand.u32 $0x60, s28;
	s29 =	sadd.s32 $0x6800, s30  }
0x14f: {  	v20 =	vld [tilespmem:s0+$0x0];
	s28 =	sor.u32 $0x10, s31;
	s19 =	sor.u32 s31, s29  }
0x150: {  	s17 =	sadd.s32 $0x6680, s30;
	s1 =	sor.u32 s28, s30;
	v17 =	vld [tilespmem:s19+$0x0]  }
0x151: {  	p2 =	sgt.u32 s25, $0x20;
	s20 =	sor.u32 s28, s17;
	v18 =	vld [tilespmem:s1+$0x6600]  }
.Ltmp16:
0x152: {  	s0 =	sadd.s32 $0x6700, s30;
	s17 =	sor.u32 s31, s17;
	v19 =	vld [tilespmem:s20+$0x0];
	(pc) =	sbr.rel @!p2 .LBB2_31-.Ltmp16, $4  }
0x153: {  	s20 =	sor.u32 s28, s0;
	v25 =	vld [tilespmem:s17+$0x0]  }
0x154: {  	s19 =	sadd.s32 $0x6780, s30;
	s0 =	sor.u32 s31, s0;
	v22 =	vld [tilespmem:s20+$0x0]  }
0x155: {  	p0 =	por $0x0, $0x0;
	s20 =	sor.u32 s28, s19;
	v27 =	vld [tilespmem:s0+$0x0]  }
0x156: {  	v16 =	vimm.f32 $0.0e+00;
	p1 =	por $0x0, $0x0;
	s30 =	simm.s32 $0x20;
	s0 =	sor.u32 s31, s19;
	v21 =	vld [tilespmem:s20+$0x0]  }
0x157: {  	s1 =	sand.u32 $0x7FFFFF80, s30;
	v24 =	vld [tilespmem:s0+$0x0];
	s19 =	simm.s32 $0x6620  }
0x158: {  	s17 =	sand.u32 $0x60, s30;
	s20 =	sor.u32 s28, s29;
	v28 =	vld [tilespmem:s19+$0x0];
	s31 =	sadd.s32 $0x6800, s1  }
0x159: {  	s28 =	sor.u32 $0x10, s17;
	v23 =	vld [tilespmem:s20+$0x0];
	s19 =	sor.u32 s17, s31  }
0x15a: {  	v30 =	vadd.f32 v17, v15;
	s29 =	sadd.s32 $0x6680, s1;
	s30 =	sor.u32 s28, s1;
	v17 =	vld [tilespmem:s19+$0x0]  }
0x15b: {  	v26 =	vmax.f32 v18, v11;
	v29 =	vmax.f32 v19, v12;
	p2 =	sgt.u32 s25, $0x40;
	s20 =	sor.u32 s28, s29;
	s19 =	sadd.s32 $0x6700, s1;
	v18 =	vld [tilespmem:s30+$0x6600]  }
.Ltmp17:
0x15c: {  	v20 =	vmax.f32 v20, v11;
	v25 =	vmax.f32 v25, v12;
	v31 =	vmin.f32 v22, v14;
	s1 =	sadd.s32 $0x6780, s1;
	v19 =	vld [tilespmem:s20+$0x0];
	s30 =	sor.u32 s28, s19;
	(pc) =	sbr.rel @!p2 .LBB2_33-.Ltmp17, $4  }
0x15d: {  	v32 =	vmin.f32 v21, v13;
	v21 =	vmin.f32 v27, v14;
	s20 =	sor.u32 s28, s1;
	v24 =	vmin.f32 v24, v13;
	v22 =	vld [tilespmem:s30+$0x0]  }
0x15e: {  	s29 =	sor.u32 s17, s29;
	v20 =	vsub.f32 v21, v20;
	v21 =	vld [tilespmem:s20+$0x0];
	v24 =	vsub.f32 v24, v25  }
0x15f: {  	v31 =	vsub.f32 v31, v26;
	s30 =	sor.u32 s17, s19;
	v25 =	vld [tilespmem:s29+$0x0]  }
0x160: {  	p0 =	por $0x1, $0x1;
	s0 =	sor.u32 s17, s1;
	v32 =	vsub.f32 v32, v29;
	s29 =	simm.s32 $0x40;
	v27 =	vld [tilespmem:s30+$0x0];
	v33 =	vmax.f32 v20, $0.0e+00;
	v34 =	vmax.f32 v24, $0.0e+00  }
0x161: {  	_ = 	snop  }
0x162: {  	s1 =	sand.u32 $0x7FFFFF80, s29;
	v35 =	vld [tilespmem:s0+$0x0];
	s30 =	simm.s32 $0x6640;
	v24 =	vmul.f32 v34, v33;
	v26 =	vmax.f32 v31, $0.0e+00;
	v29 =	vmax.f32 v32, $0.0e+00  }
0x163: {  	s0 =	sand.u32 $0x60, s29;
	s17 =	sor.u32 s28, s31;
	v31 =	vadd.f32 v23, v15;
	v20 =	vld [tilespmem:s30+$0x0];
	s29 =	sadd.s32 $0x6800, s1;
	v26 =	vmul.f32 v29, v26  }
0x164: {  	v28 =	vmax.f32 v28, v11;
	s28 =	sor.u32 $0x10, s0;
	v23 =	vld [tilespmem:s17+$0x0];
	s19 =	sor.u32 s0, s29;
	v30 =	vsub.f32 v30, v24  }
0x165: {  	s31 =	sadd.s32 $0x6680, s1;
	v63 =	vmin.f32 v22, v14;
	v29 =	vadd.f32 v17, v15;
	s20 =	sor.u32 s28, s1;
	v17 =	vld [tilespmem:s19+$0x0];
	v22 =	vsub.f32 v31, v26  }
0x166: {  	v61 =	vmax.f32 v18, v11;
	p2 =	sgt.u32 s25, $0x60;
	v36 =	vmin.f32 v21, v13;
	s19 =	sadd.s32 $0x6700, s1;
	v18 =	vld [tilespmem:s20+$0x6600];
	s20 =	sor.u32 s28, s31;
	v21 =	vadd.f32 $9.999999710e-10, v30  }
.Ltmp18:
0x167: {  	v62 =	vmax.f32 v19, v12;
	v25 =	vmax.f32 v25, v12;
	v19 =	vld [tilespmem:s20+$0x0];
	s20 =	sor.u32 s28, s19;
	v31 =	vadd.f32 $9.999999710e-10, v22;
	(pc) =	sbr.rel @!p2 .LBB2_35-.Ltmp18, $4  }
0x168: {  	s1 =	sadd.s32 $0x6780, s1;
	s31 =	sor.u32 s0, s31;
	v27 =	vmin.f32 v27, v14;
	v30 =	vmin.f32 v35, v13;
	v22 =	vld [tilespmem:s20+$0x0];
	(erf) = vrcp.f32 v21  }
0x169: {  	v28 =	vsub.f32 v27, v28;
	s20 =	sor.u32 s28, s1;
	v30 =	vsub.f32 v30, v25;
	v25 =	vld [tilespmem:s31+$0x0];
	(erf) = vrcp.f32 v31  }
0x16a: {  	v32 =	vsub.f32 v36, v62;
	v21 =	vld [tilespmem:s20+$0x0];
	s20 =	sor.u32 s0, s19;
	v31 =	vsub.f32 v63, v61  }
0x16b: {  	p1 =	por $0x1, $0x1;
	s31 =	simm.s32 $0x60;
	s0 =	sor.u32 s0, s1;
	v33 =	vmax.f32 v28, $0.0e+00;
	v28 =	vimm.f32 $0.0e+00;
	v27 =	vld [tilespmem:s20+$0x0];
	v34 =	vmax.f32 v30, $0.0e+00  }
.LBB2_36:
0x16c: {  	s1 =	sand.u32 $0x7FFFFF80, s31;
	v30 =	vld [tilespmem:s0+$0x0];
	s30 =	sadd.s32 $0x20, s30;
	v33 =	vmul.f32 v34, v33;
	v31 =	vmax.f32 v31, $0.0e+00;
	v32 =	vmax.f32 v32, $0.0e+00  }
0x16d: {  	s0 =	sand.u32 $0x60, s31;
	v34 =	vmax.f32 v20, v11;
	s17 =	sor.u32 s28, s29;
	v20 =	vld [tilespmem:s30+$0x0];
	s29 =	sadd.s32 $0x6800, s1;
	v31 =	vmul.f32 v32, v31;
	v32 =	vadd.f32 v23, v15  }
0x16e: {  	v35 =	vmax.f32 v18, v11;
	s28 =	sor.u32 $0x10, s0;
	s19 =	sor.u32 s0, s29;
	v23 =	vld [tilespmem:s17+$0x0];
	v36 =	vsub.f32 v29, v33;
	v29 =	vadd.f32 v17, v15  }
0x16f: {  	v37 =	vmax.f32 v19, v12;
	s31 =	sadd.s32 $0x20, s31;
	s20 =	sadd.s32 $0x6680, s1;
	v38 =	vmin.f32 v22, v14;
	s17 =	sor.u32 s28, s1;
	v17 =	vld [tilespmem:s19+$0x0];
	v22 =	vsub.f32 v32, v31  }
0x170: {  	p2 =	slt.u32 s31, s25;
	s19 =	sadd.s32 $0x6700, s1;
	v25 =	vmax.f32 v25, v12;
	v32 =	vmin.f32 v21, v13;
	v18 =	vld [tilespmem:s17+$0x6600];
	s17 =	sor.u32 s28, s20;
	v21 =	vadd.f32 $9.999999710e-10, v36  }
.Ltmp19:
0x171: {  	s1 =	sadd.s32 $0x6780, s1;
	v27 =	vmin.f32 v27, v14;
	v19 =	vld [tilespmem:s17+$0x0];
	s17 =	sor.u32 s28, s19;
	v30 =	vmin.f32 v30, v13;
	v36 =	vadd.f32 $9.999999710e-10, v22;
	v39 =	vpop (erf);
	(pc) =	sbr.rel @p2 .LBB2_36-.Ltmp19, $4  }
0x172: {  	v34 =	vsub.f32 v27, v34;
	v22 =	vld [tilespmem:s17+$0x0];
	s17 =	sor.u32 s28, s1;
	(erf) = vrcp.f32 v21;
	v27 =	vmul.f32 v39, v24;
	v24 =	vpop (erf)  }
0x173: {  	s20 =	sor.u32 s0, s20;
	v30 =	vsub.f32 v30, v25;
	v21 =	vld [tilespmem:s17+$0x0];
	(erf) = vrcp.f32 v36;
	v36 =	vmul.f32 v24, v26;
	v24 =	vmovc v33;
	v26 =	vmovc v31  }
0x174: {  	v32 =	vsub.f32 v32, v37;
	s17 =	sor.u32 s0, s19;
	v31 =	vsub.f32 v38, v35;
	v25 =	vld [tilespmem:s20+$0x0];
	v28 =	vmax.f32 v28, v27  }
0x175: {  	s0 =	sor.u32 s0, s1;
	v33 =	vmax.f32 v34, $0.0e+00;
	v34 =	vmax.f32 v30, $0.0e+00;
	v27 =	vld [tilespmem:s17+$0x0];
	v28 =	vmax.f32 v28, v36  }
0x176: {  	v30 =	vmov v29  }
.LBB2_38:
0x177: {  	v29 =	vld [tilespmem:s0+$0x0]  }
0x178: {  	v31 =	vmax.f32 @p0 v31, $0.0e+00;
	v32 =	vmax.f32 @p0 v32, $0.0e+00  }
0x179: {  	v33 =	vmul.f32 @p0 v34, v33;
	v20 =	vmax.f32 v20, v11;
	v23 =	vadd.f32 @p0 v23, v15  }
0x17a: {  	v17 =	vadd.f32 v17, v15;
	v18 =	vmax.f32 v18, v11;
	v22 =	vmin.f32 v22, v14  }
0x17b: {  	s31 =	sor.u32 s28, s29;
	v19 =	vmax.f32 v19, v12;
	v31 =	vmul.f32 @p0 v32, v31;
	v18 =	vsub.f32 v22, v18  }
0x17c: {  	v60 =	vld [tilespmem:s31+$0x0];
	v25 =	vmax.f32 v25, v12;
	v27 =	vmin.f32 v27, v14;
	v29 =	vmin.f32 v29, v13  }
0x17d: {  	v21 =	vmin.f32 v21, v13;
	v20 =	vsub.f32 v27, v20;
	v25 =	vsub.f32 v29, v25  }
0x17e: {  	v30 =	vsub.f32 @p0 v30, v33;
	v19 =	vsub.f32 v21, v19  }
0x17f: {  	v21 =	vsub.f32 @p0 v23, v31;
	v20 =	vmax.f32 v20, $0.0e+00;
	v61 =	vmax.f32 v25, $0.0e+00  }
0x180: {  	v18 =	vmax.f32 v18, $0.0e+00;
	v19 =	vmax.f32 v19, $0.0e+00;
	v20 =	vmul.f32 v61, v20  }
0x181: {  	v22 =	vadd.f32 @p0 $9.999999710e-10, v30;
	v18 =	vmul.f32 v19, v18;
	v19 =	vadd.f32 v60, v15  }
0x182: {  	v21 =	vadd.f32 @p0 $9.999999710e-10, v21;
	v17 =	vsub.f32 v17, v20  }
0x183: {  	(erf) = vrcp.f32 @p0 v22;
	v19 =	vsub.f32 v19, v18  }
0x184: {  	(erf) = vrcp.f32 @p0 v21;
	v17 =	vadd.f32 $9.999999710e-10, v17  }
0x185: {  	v19 =	vadd.f32 $9.999999710e-10, v19  }
0x186: {  	(erf) = vrcp.f32 v17  }
0x187: {  	(erf) = vrcp.f32 v19;
	_ =	sdelay $0x1  }
0x188: {  	v17 =	vpop @p1 (erf)  }
0x189: {  	v19 =	vpop @p1 (erf);
	v17 =	vmul.f32 @p1 v17, v24  }
0x18a: {  	v21 =	vmov @p0 v33;
	v19 =	vmul.f32 @p1 v19, v26  }
0x18b: {  	v23 =	vmov @p0 v31;
	v21 =	vpsel p0, v21, v0;
	v22 =	vpop @p0 (erf);
	v17 =	vmax.f32 @p1 v28, v17  }
0x18c: {  	v24 =	vpop @p0 (erf);
	v21 =	vmul.f32 @p0 v22, v21;
	v17 =	vmax.f32 @p1 v17, v19;
	v19 =	vpsel p0, v23, v0  }
0x18d: {  	v17 =	vpsel p1, v17, v16;
	v19 =	vmul.f32 @p0 v24, v19  }
.Ltmp20:
0x18e: {  	v17 =	vmax.f32 @p0 v17, v21;
	v62 =	vpop (erf);
	(pc) =	sbr.rel .LBB2_25-.Ltmp20, $4  }
0x18f: {  	v17 =	vmax.f32 @p0 v17, v19;
	v19 =	vmul.f32 v62, v20;
	v63 =	vpop (erf)  }
0x190: {  	v16 =	vpsel p0, v17, v16;
	v17 =	vmul.f32 v63, v18  }
0x191: {  	v16 =	vmax.f32 v16, v19  }
0x192: {  	v16 =	vmax.f32 v16, v17  }
.LBB2_24:
0x193: {  	v16 =	vimm.f32 $0.0e+00  }
.LBB2_25:
0x194: {  	s0 =	sand.u32 $0xF0, s26  }
0x195: {  	p0 =	sge.u32 s25, s0  }
.Ltmp21:
0x196: {  	_ = 	snop;
	(pc) =	sbr.rel @p0 .LBB2_28-.Ltmp21, $1  }
0x197: {  	_ =	sdelay $0x3  }
0x198: {  	s26 =	sand.u32 $0xE0, s26  }
0x199: {  	s26 =	sor.u32 $0x6600, s26  }
.LBB2_27:
0x19a: {  	v17 =	vld [tilespmem:s26+$0x0];
	s1 =	sand.u32 $0x7FFFFFF0, s25  }
0x19b: {  	v18 =	vld [tilespmem:s1+$0x6680]  }
0x19c: {  	v19 =	vld [tilespmem:s1+$0x6700]  }
0x19d: {  	v20 =	vld [tilespmem:s1+$0x6780];
	_ =	sdelay $0x3  }
0x19e: {  	v21 =	vld [tilespmem:s1+$0x6800];
	v17 =	vmax.f32 v17, v11  }
0x19f: {  	v18 =	vmax.f32 v18, v12;
	v19 =	vmin.f32 v19, v14;
	v20 =	vmin.f32 v20, v13  }
0x1a0: {  	v17 =	vsub.f32 v19, v17;
	v18 =	vsub.f32 v20, v18;
	_ =	sdelay $0x1  }
0x1a1: {  	v17 =	vmax.f32 v17, $0.0e+00;
	v18 =	vmax.f32 v18, $0.0e+00  }
0x1a2: {  	v17 =	vmul.f32 v18, v17;
	v18 =	vadd.f32 v21, v15;
	_ =	sdelay $0x1  }
0x1a3: {  	v18 =	vsub.f32 v18, v17;
	_ =	sdelay $0x1  }
0x1a4: {  	v18 =	vadd.f32 $9.999999710e-10, v18;
	_ =	sdelay $0x1  }
0x1a5: {  	(erf) = vrcp.f32 v18;
	_ =	sdelay $0x5  }
0x1a6: {  	s25 =	sadd.s32 $0x10, s25  }
0x1a7: {  	p0 =	slt.u32 s25, s0  }
.Ltmp22:
0x1a8: {  	_ = 	snop;
	(pc) =	sbr.rel @p0 .LBB2_27-.Ltmp22, $3  }
0x1a9: {  	v18 =	vpop (erf)  }
0x1aa: {  	v17 =	vmul.f32 v18, v17;
	_ =	sdelay $0x1  }
0x1ab: {  	s26 =	sadd.s32 $0x10, s26;
	v16 =	vmax.f32 v16, v17  }
.Ltmp23:
0x1ac: {  	_ = 	snop;
	(pc) =	sbr.rel .LBB2_28-.Ltmp23, $1  }
0x1ad: {  	_ =	sdelay $0x3  }
.LBB2_31:
.Ltmp24:
0x1ae: {  	(pc) =	sbr.rel .LBB2_38-.Ltmp24, $2  }
0x1af: {  	_ =	sdelay $0x2  }
0x1b0: {  	v28 =	vimm.f32 $0.0e+00  }
.LBB2_33:
.Ltmp25:
0x1b1: {  	(pc) =	sbr.rel .LBB2_38-.Ltmp25, $2  }
0x1b2: {  	_ =	sdelay $0x2  }
0x1b3: {  	v20 =	vmov v28;
	s29 =	smov.u32 s31;
	v28 =	vimm.f32 $0.0e+00  }
.LBB2_35:
.Ltmp26:
0x1b4: {  	(pc) =	sbr.rel .LBB2_38-.Ltmp26, $2  }
0x1b5: {  	_ =	sdelay $0x2  }
0x1b6: {  	v30 =	vmov v29;
	v28 =	vimm.f32 $0.0e+00  }
.LBB2_22:
0x1b7: {  	_ =	sfence.sel $0x180000  }
0x1b8: {  	[bflag:$0x0] =	sbarrier.arrive $0xFFFF  }
0x1b9: {  	_ =	strace $0x90000047  }
0x1ba: {  	s0 =	stileid.u32;
	[bflag:$0x2] =	sbarrier.arrive $0xFFFF  }
0x1bb: {  	p0 =	sne.s32 s0, $0x0;
	s0 =	rddreg [dreg:$0x2]  }
0x1bc: {  	s0 =	sadd.s32 @!p0 $0x100000, s0  }
0x1bd: {  	[sflag:s0] =	ssyncadd.tile.s32 @!p0 $0x1;
	_ =	shalt  }
.Lfunc_end2:
_tile_overlayer_lowered:
.L_overlay_start_2:
0x1be: {  	(tag) =	ssettag $0x2  }
0x1bf: {  	s0 =	rddreg [dreg:$0x0];
	s2 =	stileid.u32  }
0x1c0: {  	s1 =	rddreg [dreg:$0x1];
	p0 =	sne.s32 s2, $0x0  }
0x1c1: {  	s3 =	rddreg [dreg:$0x2];
	[bflag:$0x3] =	sbarrier.arrive $0xFFFF;
	s2 =	simm.s32 @!p0 $0x1C02  }
0x1c2: {  	[timem:s3], [sflag:s2] =	dma.local @!p0 [hbm:s0], s1  }
0x1c3: {  	s0 =	simm.s32 @!p0 $0x2  }
0x1c4: {  	_ =	swait.ge @!p0 [sflag:s0], s1  }
0x1c5: {  	s1 =	ssub.s32 @!p0 $0x0, s1;
	[sflag:s0] =	ssyncset.done @!p0 $0x0  }
0x1c6: {  	[sflag:s0] =	ssyncadd.s32 @!p0 s1  }
0x1c7: {  	[bflag:$0x3] =	sbarrier.arrive $0xFFFF  }
0x1c8: {  	_ =	shalt  }

</sc_bundles>
